<compile_context>
chip_gen: v7x
topology: tpu7x:2x2x1
jax: 0.10.2.dev20260603
libtpu: 0.0.44.dev20260713+nightly
codegen_flags: <defaults>
</compile_context>

<pallas_src>
import functools

import jax
import jax.numpy as jnp
from jax import lax
from jax.experimental import pallas as pl
from jax.experimental.pallas import tpu as pltpu
from jax.experimental.pallas import tpu_sc as plsc

B, C, T, H, W = 8, 384, 32, 16, 16
N = B * C * T
HW = H * W
NW = 32
ROWS_PER_W = N // NW
CHUNK = 128
NCHUNK = ROWS_PER_W // CHUNK
GROUPS = CHUNK // 16
SCALE = 1.0 / 210.0


def _sc_call(xf):
    mesh = plsc.VectorSubcoreMesh(core_axis_name="c", subcore_axis_name="s")

    @functools.partial(
        pl.kernel,
        mesh=mesh,
        out_type=jax.ShapeDtypeStruct((N,), jnp.float32),
        compiler_params=pltpu.CompilerParams(needs_layout_passes=False),
        scratch_types=[
            pltpu.VMEM((CHUNK, HW), jnp.float32),
            pltpu.VMEM((CHUNK, HW), jnp.float32),
            pltpu.VMEM((CHUNK, 17), jnp.float32),
            pltpu.VMEM((CHUNK,), jnp.float32),
            pltpu.VMEM((CHUNK,), jnp.float32),
            pltpu.SemaphoreType.DMA,
            pltpu.SemaphoreType.DMA,
            pltpu.SemaphoreType.DMA,
            pltpu.SemaphoreType.DMA,
        ],
    )
    def k(x_hbm, out_hbm, buf0, buf1, scr, ob0, ob1, is0, is1, os0, os1):
        cid = lax.axis_index("c")
        sid = lax.axis_index("s")
        wid = sid * 2 + cid
        base = wid * ROWS_PER_W
        lanes = lax.iota(jnp.int32, 16)
        bufs = (buf0, buf1)
        obs = (ob0, ob1)
        isems = (is0, is1)
        osems = (os0, os1)

        def in_chunk(ci):
            return x_hbm.at[pl.ds(base + ci * CHUNK, CHUNK)]

        def out_chunk(ci):
            return out_hbm.at[pl.ds(base + ci * CHUNK, CHUNK)]

        pltpu.async_copy(in_chunk(0), buf0, is0)
        pltpu.async_copy(in_chunk(1), buf1, is1)

        def compute(buf, ob):
            @plsc.parallel_loop(0, CHUNK, unroll=4)
            def _(i):
                a0 = buf[i, pl.ds(0, 16)]
                a1 = buf[i, pl.ds(16, 16)]
                a2 = buf[i, pl.ds(32, 16)]
                for r in range(3, 15):
                    v = buf[i, pl.ds(16 * r, 16)]
                    if r % 3 == 0:
                        a0 = a0 + v
                    elif r % 3 == 1:
                        a1 = a1 + v
                    else:
                        a2 = a2 + v
                scr[i, pl.ds(0, 16)] = (a0 + a1) + a2

            @plsc.parallel_loop(0, GROUPS, unroll=2)
            def _(g):
                z = jnp.zeros((16,), jnp.float32)
                b0, b1 = z, z
                rows = g * 16 + lanes
                for cc in range(1, 15):
                    v = plsc.load_gather(
                        scr, [rows, jnp.full((16,), cc, jnp.int32)])
                    if cc % 2 == 0:
                        b0 = b0 + v
                    else:
                        b1 = b1 + v
                ob[pl.ds(g * 16, 16)] = (b0 + b1) * SCALE

        def pair_body(kk, carry):
            for b in range(2):
                ci = 2 * kk + b
                buf, ob = bufs[b], obs[b]
                pltpu.make_async_copy(in_chunk(ci), buf, isems[b]).wait()
                @pl.when(kk > 0)
                def _():
                    pltpu.make_async_copy(ob, out_chunk(ci), osems[b]).wait()
                compute(buf, ob)
                @pl.when(ci + 2 < NCHUNK)
                def _():
                    pltpu.async_copy(in_chunk(ci + 2), buf, isems[b])
                pltpu.async_copy(ob, out_chunk(ci), osems[b])
            return carry

        lax.fori_loop(0, NCHUNK // 2, pair_body, 0)

        for b in range(2):
            pltpu.make_async_copy(
                obs[b], out_chunk(NCHUNK - 2 + b), osems[b]).wait()

    return k(xf)


def kernel(x):
    b, c, t, h, w = x.shape
    xf = x.reshape(b * c * t, h * w)
    out = _sc_call(xf)
    return out.reshape(b, c, t)

# --- scband reference (transcript-rebuilt; emitter-appended) ---
"""Pipeline reference for scband-random-avg-pool-12317966205028 (READ-ONLY COPY).

The authoritative reference and input builder live on the scoring server;
editing this copy changes nothing except your own understanding.
"""

import jax, jax.numpy as jnp
import numpy as np


def _candidate_indices(height, width):
    # Faithful to is_valid_index: uses `height` for both // and % (module assumes square grid)
    idxs = []
    for idx in range(height * width):
        row = idx // height
        col = idx % height
        if not (col == 0 or row == height - 1 or col == height - 1):
            idxs.append(idx)
    return np.asarray(idxs, dtype=np.int32)


def setup_inputs(seed: int = 0) -> dict:
    key = jax.random.key(seed)
    x = jax.random.normal(key, (8, 384, 32, 16, 16), dtype=jnp.float32)
    return {"x": x}


def reference(x):
    # Eval-mode semantics: num_samples == max_candidates, so the random sample is a
    # permutation of all candidate indices; mean over them is permutation-invariant
    # and therefore deterministic.
    b, c, t, h, w = x.shape
    xf = x.reshape(b, c, t, h * w)
    cand = jnp.asarray(_candidate_indices(h, w))
    gathered = jnp.take(xf, cand, axis=-1)
    return gathered.mean(axis=-1)

if __name__ == "__main__":
    import jax
    _d = setup_inputs()
    print(jax.jit(kernel)(*tuple(_d.values())))

</pallas_src>

<mosaic_0001>
#map = affine_map<(d0, d1) -> (0, 0)>
#map1 = affine_map<(d0, d1) -> (0)>
module attributes {stable_mosaic.version = 14 : i64} {
  func.func @k(%arg0: i32, %arg1: i32, %arg2: memref<98304x256xf32, #tpu.memory_space<hbm>>, %arg3: memref<98304xf32, #tpu.memory_space<hbm>>, %arg4: memref<128x256xf32, #tpu.memory_space<vmem>>, %arg5: memref<128x256xf32, #tpu.memory_space<vmem>>, %arg6: memref<128x17xf32, #tpu.memory_space<vmem>>, %arg7: memref<128xf32, #tpu.memory_space<vmem>>, %arg8: memref<128xf32, #tpu.memory_space<vmem>>, %arg9: memref<!tpu.dma_semaphore, #tpu.memory_space<semaphore_mem>>, %arg10: memref<!tpu.dma_semaphore, #tpu.memory_space<semaphore_mem>>, %arg11: memref<!tpu.dma_semaphore, #tpu.memory_space<semaphore_mem>>, %arg12: memref<!tpu.dma_semaphore, #tpu.memory_space<semaphore_mem>>) attributes {dimension_semantics = [#tpu.dimension_semantics<core_parallel>, #tpu.dimension_semantics<subcore_parallel>], iteration_bounds = array<i64: 2, 16>, scalar_prefetch = 0 : i64, scratch_operands = 9 : i64, tpu.core_type = #tpu.core_type<sc_vector_subcore>, window_params = [{transform_indices = #map}, {transform_indices = #map1}]} {
    %mul3A = arith.constant 2 : i32
    %mul3A_0 = arith.muli %arg1, %mul3A : i32
    %add3A = arith.addi %mul3A_0, %arg0 : i32
    %mul3A_1 = arith.constant 3072 : i32
    %mul3A_2 = arith.muli %add3A, %mul3A_1 : i32
    %iota3A = tpu.iota {dimensions = array<i32: 0>} : vector<16xi32>
    %add3A_3 = arith.constant 0 : i32
    %add3A_4 = arith.addi %mul3A_2, %add3A_3 : i32
    %dma_start3A = arith.constant 0 : i32
    %dma_start3A_5 = tpu.memref_slice %arg2[%add3A_4, %dma_start3A] : memref<98304x256xf32, #tpu.memory_space<hbm>> -> memref<128x256xf32, #tpu.memory_space<hbm>>
    %dma_start3A_6 = arith.constant 0 : i32
    %dma_start3A_7 = tpu.memref_slice %arg2[%add3A_4, %dma_start3A_6] : memref<98304x256xf32, #tpu.memory_space<hbm>> -> memref<128x256xf32, #tpu.memory_space<hbm>>
    tpu.enqueue_dma source(%dma_start3A_7 : memref<128x256xf32, #tpu.memory_space<hbm>>) target(%arg4 : memref<128x256xf32, #tpu.memory_space<vmem>>) target_semaphore(%arg9 : memref<!tpu.dma_semaphore, #tpu.memory_space<semaphore_mem>>)
    %add3A_8 = arith.constant 128 : i32
    %add3A_9 = arith.addi %mul3A_2, %add3A_8 : i32
    %dma_start3A_10 = arith.constant 0 : i32
    %dma_start3A_11 = tpu.memref_slice %arg2[%add3A_9, %dma_start3A_10] : memref<98304x256xf32, #tpu.memory_space<hbm>> -> memref<128x256xf32, #tpu.memory_space<hbm>>
    %dma_start3A_12 = arith.constant 0 : i32
    %dma_start3A_13 = tpu.memref_slice %arg2[%add3A_9, %dma_start3A_12] : memref<98304x256xf32, #tpu.memory_space<hbm>> -> memref<128x256xf32, #tpu.memory_space<hbm>>
    tpu.enqueue_dma source(%dma_start3A_13 : memref<128x256xf32, #tpu.memory_space<hbm>>) target(%arg5 : memref<128x256xf32, #tpu.memory_space<vmem>>) target_semaphore(%arg10 : memref<!tpu.dma_semaphore, #tpu.memory_space<semaphore_mem>>)
    %scan3A = arith.constant 0 : i32
    %scan3A_14 = arith.constant 0 : i32
    %scan3A_15 = arith.constant 12 : i32
    %scan3A_16 = arith.addi %scan3A_14, %scan3A_15 : i32
    %scan3A_17 = arith.constant 1 : i32
    scf.for %scan3A_26 = %scan3A_14 to %scan3A_16 step %scan3A_17  : i32 {
      %mul3A_27 = arith.constant 2 : i32
      %mul3A_28 = arith.muli %mul3A_27, %scan3A_26 : i32
      %add3A_29 = arith.constant 0 : i32
      %add3A_30 = arith.addi %mul3A_28, %add3A_29 : i32
      %mul3A_31 = arith.constant 128 : i32
      %mul3A_32 = arith.muli %add3A_30, %mul3A_31 : i32
      %add3A_33 = arith.addi %mul3A_2, %mul3A_32 : i32
      %dma_wait3A_34 = arith.constant 0 : i32
      %dma_wait3A_35 = tpu.memref_slice %arg2[%add3A_33, %dma_wait3A_34] : memref<98304x256xf32, #tpu.memory_space<hbm>> -> memref<128x256xf32, #tpu.memory_space<hbm>>
      %dma_wait3A_36 = arith.constant 0 : i32
      %dma_wait3A_37 = tpu.memref_slice %arg2[%add3A_33, %dma_wait3A_36] : memref<98304x256xf32, #tpu.memory_space<hbm>> -> memref<128x256xf32, #tpu.memory_space<hbm>>
      tpu.wait_dma2 semaphore(%arg9 : memref<!tpu.dma_semaphore, #tpu.memory_space<semaphore_mem>>) src(%dma_wait3A_37 : memref<128x256xf32, #tpu.memory_space<hbm>>) dst(%arg4 : memref<128x256xf32, #tpu.memory_space<vmem>>)
      %gt3A = arith.constant 0 : i32
      %gt3A_38 = arith.cmpi sgt, %scan3A_26, %gt3A : i32
      %convert_element_type3A = arith.extui %gt3A_38 : i1 to i32
      %cond3A = arith.constant 0 : i32
      %cond3A_39 = arith.cmpi ne, %convert_element_type3A, %cond3A : i32
      scf.if %cond3A_39 {
        %mul3A_90 = arith.constant 128 : i32
        %mul3A_91 = arith.muli %add3A_30, %mul3A_90 : i32
        %add3A_92 = arith.addi %mul3A_2, %mul3A_91 : i32
        %dma_wait3A_93 = tpu.memref_slice %arg3[%add3A_92] : memref<98304xf32, #tpu.memory_space<hbm>> -> memref<128xf32, #tpu.memory_space<hbm>>
        %dma_wait3A_94 = tpu.memref_slice %arg3[%add3A_92] : memref<98304xf32, #tpu.memory_space<hbm>> -> memref<128xf32, #tpu.memory_space<hbm>>
        tpu.wait_dma2 semaphore(%arg11 : memref<!tpu.dma_semaphore, #tpu.memory_space<semaphore_mem>>) src(%arg7 : memref<128xf32, #tpu.memory_space<vmem>>) dst(%dma_wait3A_94 : memref<128xf32, #tpu.memory_space<hbm>>)
      } else {
      }
      %parallel_loop3A = arith.constant 0 : i32
      %parallel_loop3A_40 = arith.constant 128 : i32
      %parallel_loop3A_41 = arith.constant 1 : i32
      scf.for %parallel_loop3A_90 = %parallel_loop3A to %parallel_loop3A_40 step %parallel_loop3A_41  : i32 {
        %parallel_loop3A_91 = arith.index_cast %parallel_loop3A_90 : i32 to index
        %parallel_loop3A_92 = arith.constant 0 : index
        %parallel_loop3A_93 = tpu.vector_load %arg4[%parallel_loop3A_91, %parallel_loop3A_92] {strides = array<i32>} : memref<128x256xf32, #tpu.memory_space<vmem>>, vector<16xf32>,
        %parallel_loop3A_94 = arith.index_cast %parallel_loop3A_90 : i32 to index
        %parallel_loop3A_95 = arith.constant 16 : index
        %parallel_loop3A_96 = tpu.vector_load %arg4[%parallel_loop3A_94, %parallel_loop3A_95] {strides = array<i32>} : memref<128x256xf32, #tpu.memory_space<vmem>>, vector<16xf32>,
        %parallel_loop3A_97 = arith.index_cast %parallel_loop3A_90 : i32 to index
        %parallel_loop3A_98 = arith.constant 32 : index
        %parallel_loop3A_99 = tpu.vector_load %arg4[%parallel_loop3A_97, %parallel_loop3A_98] {strides = array<i32>} : memref<128x256xf32, #tpu.memory_space<vmem>>, vector<16xf32>,
        %parallel_loop3A_100 = arith.index_cast %parallel_loop3A_90 : i32 to index
        %parallel_loop3A_101 = arith.constant 48 : index
        %parallel_loop3A_102 = tpu.vector_load %arg4[%parallel_loop3A_100, %parallel_loop3A_101] {strides = array<i32>} : memref<128x256xf32, #tpu.memory_space<vmem>>, vector<16xf32>,
        %parallel_loop3A_103 = arith.addf %parallel_loop3A_93, %parallel_loop3A_102 : vector<16xf32>
        %parallel_loop3A_104 = arith.index_cast %parallel_loop3A_90 : i32 to index
        %parallel_loop3A_105 = arith.constant 64 : index
        %parallel_loop3A_106 = tpu.vector_load %arg4[%parallel_loop3A_104, %parallel_loop3A_105] {strides = array<i32>} : memref<128x256xf32, #tpu.memory_space<vmem>>, vector<16xf32>,
        %parallel_loop3A_107 = arith.addf %parallel_loop3A_96, %parallel_loop3A_106 : vector<16xf32>
        %parallel_loop3A_108 = arith.index_cast %parallel_loop3A_90 : i32 to index
        %parallel_loop3A_109 = arith.constant 80 : index
        %parallel_loop3A_110 = tpu.vector_load %arg4[%parallel_loop3A_108, %parallel_loop3A_109] {strides = array<i32>} : memref<128x256xf32, #tpu.memory_space<vmem>>, vector<16xf32>,
        %parallel_loop3A_111 = arith.addf %parallel_loop3A_99, %parallel_loop3A_110 : vector<16xf32>
        %parallel_loop3A_112 = arith.index_cast %parallel_loop3A_90 : i32 to index
        %parallel_loop3A_113 = arith.constant 96 : index
        %parallel_loop3A_114 = tpu.vector_load %arg4[%parallel_loop3A_112, %parallel_loop3A_113] {strides = array<i32>} : memref<128x256xf32, #tpu.memory_space<vmem>>, vector<16xf32>,
        %parallel_loop3A_115 = arith.addf %parallel_loop3A_103, %parallel_loop3A_114 : vector<16xf32>
        %parallel_loop3A_116 = arith.index_cast %parallel_loop3A_90 : i32 to index
        %parallel_loop3A_117 = arith.constant 112 : index
        %parallel_loop3A_118 = tpu.vector_load %arg4[%parallel_loop3A_116, %parallel_loop3A_117] {strides = array<i32>} : memref<128x256xf32, #tpu.memory_space<vmem>>, vector<16xf32>,
        %parallel_loop3A_119 = arith.addf %parallel_loop3A_107, %parallel_loop3A_118 : vector<16xf32>
        %parallel_loop3A_120 = arith.index_cast %parallel_loop3A_90 : i32 to index
        %parallel_loop3A_121 = arith.constant 128 : index
        %parallel_loop3A_122 = tpu.vector_load %arg4[%parallel_loop3A_120, %parallel_loop3A_121] {strides = array<i32>} : memref<128x256xf32, #tpu.memory_space<vmem>>, vector<16xf32>,
        %parallel_loop3A_123 = arith.addf %parallel_loop3A_111, %parallel_loop3A_122 : vector<16xf32>
        %parallel_loop3A_124 = arith.index_cast %parallel_loop3A_90 : i32 to index
        %parallel_loop3A_125 = arith.constant 144 : index
        %parallel_loop3A_126 = tpu.vector_load %arg4[%parallel_loop3A_124, %parallel_loop3A_125] {strides = array<i32>} : memref<128x256xf32, #tpu.memory_space<vmem>>, vector<16xf32>,
        %parallel_loop3A_127 = arith.addf %parallel_loop3A_115, %parallel_loop3A_126 : vector<16xf32>
        %parallel_loop3A_128 = arith.index_cast %parallel_loop3A_90 : i32 to index
        %parallel_loop3A_129 = arith.constant 160 : index
        %parallel_loop3A_130 = tpu.vector_load %arg4[%parallel_loop3A_128, %parallel_loop3A_129] {strides = array<i32>} : memref<128x256xf32, #tpu.memory_space<vmem>>, vector<16xf32>,
        %parallel_loop3A_131 = arith.addf %parallel_loop3A_119, %parallel_loop3A_130 : vector<16xf32>
        %parallel_loop3A_132 = arith.index_cast %parallel_loop3A_90 : i32 to index
        %parallel_loop3A_133 = arith.constant 176 : index
        %parallel_loop3A_134 = tpu.vector_load %arg4[%parallel_loop3A_132, %parallel_loop3A_133] {strides = array<i32>} : memref<128x256xf32, #tpu.memory_space<vmem>>, vector<16xf32>,
        %parallel_loop3A_135 = arith.addf %parallel_loop3A_123, %parallel_loop3A_134 : vector<16xf32>
        %parallel_loop3A_136 = arith.index_cast %parallel_loop3A_90 : i32 to index
        %parallel_loop3A_137 = arith.constant 192 : index
        %parallel_loop3A_138 = tpu.vector_load %arg4[%parallel_loop3A_136, %parallel_loop3A_137] {strides = array<i32>} : memref<128x256xf32, #tpu.memory_space<vmem>>, vector<16xf32>,
        %parallel_loop3A_139 = arith.addf %parallel_loop3A_127, %parallel_loop3A_138 : vector<16xf32>
        %parallel_loop3A_140 = arith.index_cast %parallel_loop3A_90 : i32 to index
        %parallel_loop3A_141 = arith.constant 208 : index
        %parallel_loop3A_142 = tpu.vector_load %arg4[%parallel_loop3A_140, %parallel_loop3A_141] {strides = array<i32>} : memref<128x256xf32, #tpu.memory_space<vmem>>, vector<16xf32>,
        %parallel_loop3A_143 = arith.addf %parallel_loop3A_131, %parallel_loop3A_142 : vector<16xf32>
        %parallel_loop3A_144 = arith.index_cast %parallel_loop3A_90 : i32 to index
        %parallel_loop3A_145 = arith.constant 224 : index
        %parallel_loop3A_146 = tpu.vector_load %arg4[%parallel_loop3A_144, %parallel_loop3A_145] {strides = array<i32>} : memref<128x256xf32, #tpu.memory_space<vmem>>, vector<16xf32>,
        %parallel_loop3A_147 = arith.addf %parallel_loop3A_135, %parallel_loop3A_146 : vector<16xf32>
        %parallel_loop3A_148 = arith.addf %parallel_loop3A_139, %parallel_loop3A_143 : vector<16xf32>
        %parallel_loop3A_149 = arith.addf %parallel_loop3A_148, %parallel_loop3A_147 : vector<16xf32>
        %parallel_loop3A_150 = arith.index_cast %parallel_loop3A_90 : i32 to index
        %parallel_loop3A_151 = arith.constant 0 : index
        %parallel_loop3A_152 = tpu.vector_load %arg6[%parallel_loop3A_150, %parallel_loop3A_151] {strides = array<i32>} : memref<128x17xf32, #tpu.memory_space<vmem>>, vector<16xf32>,
        tpu.vector_store %arg6[%parallel_loop3A_150, %parallel_loop3A_151], %parallel_loop3A_149 {strides = array<i32>} : memref<128x17xf32, #tpu.memory_space<vmem>>, vector<16xf32>,
      } {sc.loop_unroll_factor = 4 : i64, sc.parallel_access}
      %parallel_loop3A_42 = arith.constant 0 : i32
      %parallel_loop3A_43 = arith.constant 8 : i32
      %parallel_loop3A_44 = arith.constant 1 : i32
      scf.for %parallel_loop3A_90 = %parallel_loop3A_42 to %parallel_loop3A_43 step %parallel_loop3A_44  : i32 {
        %parallel_loop3A_91 = arith.constant 0.000000e+00 : f32
        %parallel_loop3A_92 = vector.broadcast %parallel_loop3A_91 : f32 to vector<16xf32>
        %parallel_loop3A_93 = arith.constant 16 : i32
        %parallel_loop3A_94 = arith.muli %parallel_loop3A_90, %parallel_loop3A_93 : i32
        %parallel_loop3A_95 = vector.broadcast %parallel_loop3A_94 : i32 to vector<16xi32>
        %parallel_loop3A_96 = arith.addi %parallel_loop3A_95, %iota3A : vector<16xi32>
        %parallel_loop3A_97 = arith.constant 1 : i32
        %parallel_loop3A_98 = vector.broadcast %parallel_loop3A_97 : i32 to vector<16xi32>
        %parallel_loop3A_99 = tpu.vector_load_idx %arg6[%parallel_loop3A_96, %parallel_loop3A_98] : memref<128x17xf32, #tpu.memory_space<vmem>>[vector<16xi32>, vector<16xi32>], vector<16xf32>,
        %parallel_loop3A_100 = arith.addf %parallel_loop3A_92, %parallel_loop3A_99 : vector<16xf32>
        %parallel_loop3A_101 = arith.constant 2 : i32
        %parallel_loop3A_102 = vector.broadcast %parallel_loop3A_101 : i32 to vector<16xi32>
        %parallel_loop3A_103 = tpu.vector_load_idx %arg6[%parallel_loop3A_96, %parallel_loop3A_102] : memref<128x17xf32, #tpu.memory_space<vmem>>[vector<16xi32>, vector<16xi32>], vector<16xf32>,
        %parallel_loop3A_104 = arith.addf %parallel_loop3A_92, %parallel_loop3A_103 : vector<16xf32>
        %parallel_loop3A_105 = arith.constant 3 : i32
        %parallel_loop3A_106 = vector.broadcast %parallel_loop3A_105 : i32 to vector<16xi32>
        %parallel_loop3A_107 = tpu.vector_load_idx %arg6[%parallel_loop3A_96, %parallel_loop3A_106] : memref<128x17xf32, #tpu.memory_space<vmem>>[vector<16xi32>, vector<16xi32>], vector<16xf32>,
        %parallel_loop3A_108 = arith.addf %parallel_loop3A_100, %parallel_loop3A_107 : vector<16xf32>
        %parallel_loop3A_109 = arith.constant 4 : i32
        %parallel_loop3A_110 = vector.broadcast %parallel_loop3A_109 : i32 to vector<16xi32>
        %parallel_loop3A_111 = tpu.vector_load_idx %arg6[%parallel_loop3A_96, %parallel_loop3A_110] : memref<128x17xf32, #tpu.memory_space<vmem>>[vector<16xi32>, vector<16xi32>], vector<16xf32>,
        %parallel_loop3A_112 = arith.addf %parallel_loop3A_104, %parallel_loop3A_111 : vector<16xf32>
        %parallel_loop3A_113 = arith.constant 5 : i32
        %parallel_loop3A_114 = vector.broadcast %parallel_loop3A_113 : i32 to vector<16xi32>
        %parallel_loop3A_115 = tpu.vector_load_idx %arg6[%parallel_loop3A_96, %parallel_loop3A_114] : memref<128x17xf32, #tpu.memory_space<vmem>>[vector<16xi32>, vector<16xi32>], vector<16xf32>,
        %parallel_loop3A_116 = arith.addf %parallel_loop3A_108, %parallel_loop3A_115 : vector<16xf32>
        %parallel_loop3A_117 = arith.constant 6 : i32
        %parallel_loop3A_118 = vector.broadcast %parallel_loop3A_117 : i32 to vector<16xi32>
        %parallel_loop3A_119 = tpu.vector_load_idx %arg6[%parallel_loop3A_96, %parallel_loop3A_118] : memref<128x17xf32, #tpu.memory_space<vmem>>[vector<16xi32>, vector<16xi32>], vector<16xf32>,
        %parallel_loop3A_120 = arith.addf %parallel_loop3A_112, %parallel_loop3A_119 : vector<16xf32>
        %parallel_loop3A_121 = arith.constant 7 : i32
        %parallel_loop3A_122 = vector.broadcast %parallel_loop3A_121 : i32 to vector<16xi32>
        %parallel_loop3A_123 = tpu.vector_load_idx %arg6[%parallel_loop3A_96, %parallel_loop3A_122] : memref<128x17xf32, #tpu.memory_space<vmem>>[vector<16xi32>, vector<16xi32>], vector<16xf32>,
        %parallel_loop3A_124 = arith.addf %parallel_loop3A_116, %parallel_loop3A_123 : vector<16xf32>
        %parallel_loop3A_125 = arith.constant 8 : i32
        %parallel_loop3A_126 = vector.broadcast %parallel_loop3A_125 : i32 to vector<16xi32>
        %parallel_loop3A_127 = tpu.vector_load_idx %arg6[%parallel_loop3A_96, %parallel_loop3A_126] : memref<128x17xf32, #tpu.memory_space<vmem>>[vector<16xi32>, vector<16xi32>], vector<16xf32>,
        %parallel_loop3A_128 = arith.addf %parallel_loop3A_120, %parallel_loop3A_127 : vector<16xf32>
        %parallel_loop3A_129 = arith.constant 9 : i32
        %parallel_loop3A_130 = vector.broadcast %parallel_loop3A_129 : i32 to vector<16xi32>
        %parallel_loop3A_131 = tpu.vector_load_idx %arg6[%parallel_loop3A_96, %parallel_loop3A_130] : memref<128x17xf32, #tpu.memory_space<vmem>>[vector<16xi32>, vector<16xi32>], vector<16xf32>,
        %parallel_loop3A_132 = arith.addf %parallel_loop3A_124, %parallel_loop3A_131 : vector<16xf32>
        %parallel_loop3A_133 = arith.constant 10 : i32
        %parallel_loop3A_134 = vector.broadcast %parallel_loop3A_133 : i32 to vector<16xi32>
        %parallel_loop3A_135 = tpu.vector_load_idx %arg6[%parallel_loop3A_96, %parallel_loop3A_134] : memref<128x17xf32, #tpu.memory_space<vmem>>[vector<16xi32>, vector<16xi32>], vector<16xf32>,
        %parallel_loop3A_136 = arith.addf %parallel_loop3A_128, %parallel_loop3A_135 : vector<16xf32>
        %parallel_loop3A_137 = arith.constant 11 : i32
        %parallel_loop3A_138 = vector.broadcast %parallel_loop3A_137 : i32 to vector<16xi32>
        %parallel_loop3A_139 = tpu.vector_load_idx %arg6[%parallel_loop3A_96, %parallel_loop3A_138] : memref<128x17xf32, #tpu.memory_space<vmem>>[vector<16xi32>, vector<16xi32>], vector<16xf32>,
        %parallel_loop3A_140 = arith.addf %parallel_loop3A_132, %parallel_loop3A_139 : vector<16xf32>
        %parallel_loop3A_141 = arith.constant 12 : i32
        %parallel_loop3A_142 = vector.broadcast %parallel_loop3A_141 : i32 to vector<16xi32>
        %parallel_loop3A_143 = tpu.vector_load_idx %arg6[%parallel_loop3A_96, %parallel_loop3A_142] : memref<128x17xf32, #tpu.memory_space<vmem>>[vector<16xi32>, vector<16xi32>], vector<16xf32>,
        %parallel_loop3A_144 = arith.addf %parallel_loop3A_136, %parallel_loop3A_143 : vector<16xf32>
        %parallel_loop3A_145 = arith.constant 13 : i32
        %parallel_loop3A_146 = vector.broadcast %parallel_loop3A_145 : i32 to vector<16xi32>
        %parallel_loop3A_147 = tpu.vector_load_idx %arg6[%parallel_loop3A_96, %parallel_loop3A_146] : memref<128x17xf32, #tpu.memory_space<vmem>>[vector<16xi32>, vector<16xi32>], vector<16xf32>,
        %parallel_loop3A_148 = arith.addf %parallel_loop3A_140, %parallel_loop3A_147 : vector<16xf32>
        %parallel_loop3A_149 = arith.constant 14 : i32
        %parallel_loop3A_150 = vector.broadcast %parallel_loop3A_149 : i32 to vector<16xi32>
        %parallel_loop3A_151 = tpu.vector_load_idx %arg6[%parallel_loop3A_96, %parallel_loop3A_150] : memref<128x17xf32, #tpu.memory_space<vmem>>[vector<16xi32>, vector<16xi32>], vector<16xf32>,
        %parallel_loop3A_152 = arith.addf %parallel_loop3A_144, %parallel_loop3A_151 : vector<16xf32>
        %parallel_loop3A_153 = arith.addf %parallel_loop3A_152, %parallel_loop3A_148 : vector<16xf32>
        %parallel_loop3A_154 = arith.constant 0.00476190494 : f32
        %parallel_loop3A_155 = vector.broadcast %parallel_loop3A_154 : f32 to vector<16xf32>
        %parallel_loop3A_156 = arith.mulf %parallel_loop3A_153, %parallel_loop3A_155 : vector<16xf32>
        %parallel_loop3A_157 = arith.constant 16 : i32
        %parallel_loop3A_158 = arith.muli %parallel_loop3A_90, %parallel_loop3A_157 : i32
        %parallel_loop3A_159 = arith.index_cast %parallel_loop3A_158 : i32 to index
        %parallel_loop3A_160 = tpu.vector_load %arg7[%parallel_loop3A_159] {strides = array<i32>} : memref<128xf32, #tpu.memory_space<vmem>>, vector<16xf32>,
        tpu.vector_store %arg7[%parallel_loop3A_159], %parallel_loop3A_156 {strides = array<i32>} : memref<128xf32, #tpu.memory_space<vmem>>, vector<16xf32>,
      } {sc.loop_unroll_factor = 2 : i64, sc.parallel_access}
      %add3A_45 = arith.constant 2 : i32
      %add3A_46 = arith.addi %add3A_30, %add3A_45 : i32
      %lt3A = arith.constant 24 : i32
      %lt3A_47 = arith.cmpi slt, %add3A_46, %lt3A : i32
      %convert_element_type3A_48 = arith.extui %lt3A_47 : i1 to i32
      %cond3A_49 = arith.constant 0 : i32
      %cond3A_50 = arith.cmpi ne, %convert_element_type3A_48, %cond3A_49 : i32
      scf.if %cond3A_50 {
        %add3A_90 = arith.constant 2 : i32
        %add3A_91 = arith.addi %add3A_30, %add3A_90 : i32
        %mul3A_92 = arith.constant 128 : i32
        %mul3A_93 = arith.muli %add3A_91, %mul3A_92 : i32
        %add3A_94 = arith.addi %mul3A_2, %mul3A_93 : i32
        %dma_start3A_95 = arith.constant 0 : i32
        %dma_start3A_96 = tpu.memref_slice %arg2[%add3A_94, %dma_start3A_95] : memref<98304x256xf32, #tpu.memory_space<hbm>> -> memref<128x256xf32, #tpu.memory_space<hbm>>
        %dma_start3A_97 = arith.constant 0 : i32
        %dma_start3A_98 = tpu.memref_slice %arg2[%add3A_94, %dma_start3A_97] : memref<98304x256xf32, #tpu.memory_space<hbm>> -> memref<128x256xf32, #tpu.memory_space<hbm>>
        tpu.enqueue_dma source(%dma_start3A_98 : memref<128x256xf32, #tpu.memory_space<hbm>>) target(%arg4 : memref<128x256xf32, #tpu.memory_space<vmem>>) target_semaphore(%arg9 : memref<!tpu.dma_semaphore, #tpu.memory_space<semaphore_mem>>)
      } else {
      }
      %mul3A_51 = arith.constant 128 : i32
      %mul3A_52 = arith.muli %add3A_30, %mul3A_51 : i32
      %add3A_53 = arith.addi %mul3A_2, %mul3A_52 : i32
      %dma_start3A_54 = tpu.memref_slice %arg3[%add3A_53] : memref<98304xf32, #tpu.memory_space<hbm>> -> memref<128xf32, #tpu.memory_space<hbm>>
      %dma_start3A_55 = tpu.memref_slice %arg3[%add3A_53] : memref<98304xf32, #tpu.memory_space<hbm>> -> memref<128xf32, #tpu.memory_space<hbm>>
      tpu.enqueue_dma source(%arg7 : memref<128xf32, #tpu.memory_space<vmem>>) target(%dma_start3A_55 : memref<128xf32, #tpu.memory_space<hbm>>) target_semaphore(%arg11 : memref<!tpu.dma_semaphore, #tpu.memory_space<semaphore_mem>>)
      %mul3A_56 = arith.constant 2 : i32
      %mul3A_57 = arith.muli %mul3A_56, %scan3A_26 : i32
      %add3A_58 = arith.constant 1 : i32
      %add3A_59 = arith.addi %mul3A_57, %add3A_58 : i32
      %mul3A_60 = arith.constant 128 : i32
      %mul3A_61 = arith.muli %add3A_59, %mul3A_60 : i32
      %add3A_62 = arith.addi %mul3A_2, %mul3A_61 : i32
      %dma_wait3A_63 = arith.constant 0 : i32
      %dma_wait3A_64 = tpu.memref_slice %arg2[%add3A_62, %dma_wait3A_63] : memref<98304x256xf32, #tpu.memory_space<hbm>> -> memref<128x256xf32, #tpu.memory_space<hbm>>
      %dma_wait3A_65 = arith.constant 0 : i32
      %dma_wait3A_66 = tpu.memref_slice %arg2[%add3A_62, %dma_wait3A_65] : memref<98304x256xf32, #tpu.memory_space<hbm>> -> memref<128x256xf32, #tpu.memory_space<hbm>>
      tpu.wait_dma2 semaphore(%arg10 : memref<!tpu.dma_semaphore, #tpu.memory_space<semaphore_mem>>) src(%dma_wait3A_66 : memref<128x256xf32, #tpu.memory_space<hbm>>) dst(%arg5 : memref<128x256xf32, #tpu.memory_space<vmem>>)
      %gt3A_67 = arith.constant 0 : i32
      %gt3A_68 = arith.cmpi sgt, %scan3A_26, %gt3A_67 : i32
      %convert_element_type3A_69 = arith.extui %gt3A_68 : i1 to i32
      %cond3A_70 = arith.constant 0 : i32
      %cond3A_71 = arith.cmpi ne, %convert_element_type3A_69, %cond3A_70 : i32
      scf.if %cond3A_71 {
        %mul3A_90 = arith.constant 128 : i32
        %mul3A_91 = arith.muli %add3A_59, %mul3A_90 : i32
        %add3A_92 = arith.addi %mul3A_2, %mul3A_91 : i32
        %dma_wait3A_93 = tpu.memref_slice %arg3[%add3A_92] : memref<98304xf32, #tpu.memory_space<hbm>> -> memref<128xf32, #tpu.memory_space<hbm>>
        %dma_wait3A_94 = tpu.memref_slice %arg3[%add3A_92] : memref<98304xf32, #tpu.memory_space<hbm>> -> memref<128xf32, #tpu.memory_space<hbm>>
        tpu.wait_dma2 semaphore(%arg12 : memref<!tpu.dma_semaphore, #tpu.memory_space<semaphore_mem>>) src(%arg8 : memref<128xf32, #tpu.memory_space<vmem>>) dst(%dma_wait3A_94 : memref<128xf32, #tpu.memory_space<hbm>>)
      } else {
      }
      %parallel_loop3A_72 = arith.constant 0 : i32
      %parallel_loop3A_73 = arith.constant 128 : i32
      %parallel_loop3A_74 = arith.constant 1 : i32
      scf.for %parallel_loop3A_90 = %parallel_loop3A_72 to %parallel_loop3A_73 step %parallel_loop3A_74  : i32 {
        %parallel_loop3A_91 = arith.index_cast %parallel_loop3A_90 : i32 to index
        %parallel_loop3A_92 = arith.constant 0 : index
        %parallel_loop3A_93 = tpu.vector_load %arg5[%parallel_loop3A_91, %parallel_loop3A_92] {strides = array<i32>} : memref<128x256xf32, #tpu.memory_space<vmem>>, vector<16xf32>,
        %parallel_loop3A_94 = arith.index_cast %parallel_loop3A_90 : i32 to index
        %parallel_loop3A_95 = arith.constant 16 : index
        %parallel_loop3A_96 = tpu.vector_load %arg5[%parallel_loop3A_94, %parallel_loop3A_95] {strides = array<i32>} : memref<128x256xf32, #tpu.memory_space<vmem>>, vector<16xf32>,
        %parallel_loop3A_97 = arith.index_cast %parallel_loop3A_90 : i32 to index
        %parallel_loop3A_98 = arith.constant 32 : index
        %parallel_loop3A_99 = tpu.vector_load %arg5[%parallel_loop3A_97, %parallel_loop3A_98] {strides = array<i32>} : memref<128x256xf32, #tpu.memory_space<vmem>>, vector<16xf32>,
        %parallel_loop3A_100 = arith.index_cast %parallel_loop3A_90 : i32 to index
        %parallel_loop3A_101 = arith.constant 48 : index
        %parallel_loop3A_102 = tpu.vector_load %arg5[%parallel_loop3A_100, %parallel_loop3A_101] {strides = array<i32>} : memref<128x256xf32, #tpu.memory_space<vmem>>, vector<16xf32>,
        %parallel_loop3A_103 = arith.addf %parallel_loop3A_93, %parallel_loop3A_102 : vector<16xf32>
        %parallel_loop3A_104 = arith.index_cast %parallel_loop3A_90 : i32 to index
        %parallel_loop3A_105 = arith.constant 64 : index
        %parallel_loop3A_106 = tpu.vector_load %arg5[%parallel_loop3A_104, %parallel_loop3A_105] {strides = array<i32>} : memref<128x256xf32, #tpu.memory_space<vmem>>, vector<16xf32>,
        %parallel_loop3A_107 = arith.addf %parallel_loop3A_96, %parallel_loop3A_106 : vector<16xf32>
        %parallel_loop3A_108 = arith.index_cast %parallel_loop3A_90 : i32 to index
        %parallel_loop3A_109 = arith.constant 80 : index
        %parallel_loop3A_110 = tpu.vector_load %arg5[%parallel_loop3A_108, %parallel_loop3A_109] {strides = array<i32>} : memref<128x256xf32, #tpu.memory_space<vmem>>, vector<16xf32>,
        %parallel_loop3A_111 = arith.addf %parallel_loop3A_99, %parallel_loop3A_110 : vector<16xf32>
        %parallel_loop3A_112 = arith.index_cast %parallel_loop3A_90 : i32 to index
        %parallel_loop3A_113 = arith.constant 96 : index
        %parallel_loop3A_114 = tpu.vector_load %arg5[%parallel_loop3A_112, %parallel_loop3A_113] {strides = array<i32>} : memref<128x256xf32, #tpu.memory_space<vmem>>, vector<16xf32>,
        %parallel_loop3A_115 = arith.addf %parallel_loop3A_103, %parallel_loop3A_114 : vector<16xf32>
        %parallel_loop3A_116 = arith.index_cast %parallel_loop3A_90 : i32 to index
        %parallel_loop3A_117 = arith.constant 112 : index
        %parallel_loop3A_118 = tpu.vector_load %arg5[%parallel_loop3A_116, %parallel_loop3A_117] {strides = array<i32>} : memref<128x256xf32, #tpu.memory_space<vmem>>, vector<16xf32>,
        %parallel_loop3A_119 = arith.addf %parallel_loop3A_107, %parallel_loop3A_118 : vector<16xf32>
        %parallel_loop3A_120 = arith.index_cast %parallel_loop3A_90 : i32 to index
        %parallel_loop3A_121 = arith.constant 128 : index
        %parallel_loop3A_122 = tpu.vector_load %arg5[%parallel_loop3A_120, %parallel_loop3A_121] {strides = array<i32>} : memref<128x256xf32, #tpu.memory_space<vmem>>, vector<16xf32>,
        %parallel_loop3A_123 = arith.addf %parallel_loop3A_111, %parallel_loop3A_122 : vector<16xf32>
        %parallel_loop3A_124 = arith.index_cast %parallel_loop3A_90 : i32 to index
        %parallel_loop3A_125 = arith.constant 144 : index
        %parallel_loop3A_126 = tpu.vector_load %arg5[%parallel_loop3A_124, %parallel_loop3A_125] {strides = array<i32>} : memref<128x256xf32, #tpu.memory_space<vmem>>, vector<16xf32>,
        %parallel_loop3A_127 = arith.addf %parallel_loop3A_115, %parallel_loop3A_126 : vector<16xf32>
        %parallel_loop3A_128 = arith.index_cast %parallel_loop3A_90 : i32 to index
        %parallel_loop3A_129 = arith.constant 160 : index
        %parallel_loop3A_130 = tpu.vector_load %arg5[%parallel_loop3A_128, %parallel_loop3A_129] {strides = array<i32>} : memref<128x256xf32, #tpu.memory_space<vmem>>, vector<16xf32>,
        %parallel_loop3A_131 = arith.addf %parallel_loop3A_119, %parallel_loop3A_130 : vector<16xf32>
        %parallel_loop3A_132 = arith.index_cast %parallel_loop3A_90 : i32 to index
        %parallel_loop3A_133 = arith.constant 176 : index
        %parallel_loop3A_134 = tpu.vector_load %arg5[%parallel_loop3A_132, %parallel_loop3A_133] {strides = array<i32>} : memref<128x256xf32, #tpu.memory_space<vmem>>, vector<16xf32>,
        %parallel_loop3A_135 = arith.addf %parallel_loop3A_123, %parallel_loop3A_134 : vector<16xf32>
        %parallel_loop3A_136 = arith.index_cast %parallel_loop3A_90 : i32 to index
        %parallel_loop3A_137 = arith.constant 192 : index
        %parallel_loop3A_138 = tpu.vector_load %arg5[%parallel_loop3A_136, %parallel_loop3A_137] {strides = array<i32>} : memref<128x256xf32, #tpu.memory_space<vmem>>, vector<16xf32>,
        %parallel_loop3A_139 = arith.addf %parallel_loop3A_127, %parallel_loop3A_138 : vector<16xf32>
        %parallel_loop3A_140 = arith.index_cast %parallel_loop3A_90 : i32 to index
        %parallel_loop3A_141 = arith.constant 208 : index
        %parallel_loop3A_142 = tpu.vector_load %arg5[%parallel_loop3A_140, %parallel_loop3A_141] {strides = array<i32>} : memref<128x256xf32, #tpu.memory_space<vmem>>, vector<16xf32>,
        %parallel_loop3A_143 = arith.addf %parallel_loop3A_131, %parallel_loop3A_142 : vector<16xf32>
        %parallel_loop3A_144 = arith.index_cast %parallel_loop3A_90 : i32 to index
        %parallel_loop3A_145 = arith.constant 224 : index
        %parallel_loop3A_146 = tpu.vector_load %arg5[%parallel_loop3A_144, %parallel_loop3A_145] {strides = array<i32>} : memref<128x256xf32, #tpu.memory_space<vmem>>, vector<16xf32>,
        %parallel_loop3A_147 = arith.addf %parallel_loop3A_135, %parallel_loop3A_146 : vector<16xf32>
        %parallel_loop3A_148 = arith.addf %parallel_loop3A_139, %parallel_loop3A_143 : vector<16xf32>
        %parallel_loop3A_149 = arith.addf %parallel_loop3A_148, %parallel_loop3A_147 : vector<16xf32>
        %parallel_loop3A_150 = arith.index_cast %parallel_loop3A_90 : i32 to index
        %parallel_loop3A_151 = arith.constant 0 : index
        %parallel_loop3A_152 = tpu.vector_load %arg6[%parallel_loop3A_150, %parallel_loop3A_151] {strides = array<i32>} : memref<128x17xf32, #tpu.memory_space<vmem>>, vector<16xf32>,
        tpu.vector_store %arg6[%parallel_loop3A_150, %parallel_loop3A_151], %parallel_loop3A_149 {strides = array<i32>} : memref<128x17xf32, #tpu.memory_space<vmem>>, vector<16xf32>,
      } {sc.loop_unroll_factor = 4 : i64, sc.parallel_access}
      %parallel_loop3A_75 = arith.constant 0 : i32
      %parallel_loop3A_76 = arith.constant 8 : i32
      %parallel_loop3A_77 = arith.constant 1 : i32
      scf.for %parallel_loop3A_90 = %parallel_loop3A_75 to %parallel_loop3A_76 step %parallel_loop3A_77  : i32 {
        %parallel_loop3A_91 = arith.constant 0.000000e+00 : f32
        %parallel_loop3A_92 = vector.broadcast %parallel_loop3A_91 : f32 to vector<16xf32>
        %parallel_loop3A_93 = arith.constant 16 : i32
        %parallel_loop3A_94 = arith.muli %parallel_loop3A_90, %parallel_loop3A_93 : i32
        %parallel_loop3A_95 = vector.broadcast %parallel_loop3A_94 : i32 to vector<16xi32>
        %parallel_loop3A_96 = arith.addi %parallel_loop3A_95, %iota3A : vector<16xi32>
        %parallel_loop3A_97 = arith.constant 1 : i32
        %parallel_loop3A_98 = vector.broadcast %parallel_loop3A_97 : i32 to vector<16xi32>
        %parallel_loop3A_99 = tpu.vector_load_idx %arg6[%parallel_loop3A_96, %parallel_loop3A_98] : memref<128x17xf32, #tpu.memory_space<vmem>>[vector<16xi32>, vector<16xi32>], vector<16xf32>,
        %parallel_loop3A_100 = arith.addf %parallel_loop3A_92, %parallel_loop3A_99 : vector<16xf32>
        %parallel_loop3A_101 = arith.constant 2 : i32
        %parallel_loop3A_102 = vector.broadcast %parallel_loop3A_101 : i32 to vector<16xi32>
        %parallel_loop3A_103 = tpu.vector_load_idx %arg6[%parallel_loop3A_96, %parallel_loop3A_102] : memref<128x17xf32, #tpu.memory_space<vmem>>[vector<16xi32>, vector<16xi32>], vector<16xf32>,
        %parallel_loop3A_104 = arith.addf %parallel_loop3A_92, %parallel_loop3A_103 : vector<16xf32>
        %parallel_loop3A_105 = arith.constant 3 : i32
        %parallel_loop3A_106 = vector.broadcast %parallel_loop3A_105 : i32 to vector<16xi32>
        %parallel_loop3A_107 = tpu.vector_load_idx %arg6[%parallel_loop3A_96, %parallel_loop3A_106] : memref<128x17xf32, #tpu.memory_space<vmem>>[vector<16xi32>, vector<16xi32>], vector<16xf32>,
        %parallel_loop3A_108 = arith.addf %parallel_loop3A_100, %parallel_loop3A_107 : vector<16xf32>
        %parallel_loop3A_109 = arith.constant 4 : i32
        %parallel_loop3A_110 = vector.broadcast %parallel_loop3A_109 : i32 to vector<16xi32>
        %parallel_loop3A_111 = tpu.vector_load_idx %arg6[%parallel_loop3A_96, %parallel_loop3A_110] : memref<128x17xf32, #tpu.memory_space<vmem>>[vector<16xi32>, vector<16xi32>], vector<16xf32>,
        %parallel_loop3A_112 = arith.addf %parallel_loop3A_104, %parallel_loop3A_111 : vector<16xf32>
        %parallel_loop3A_113 = arith.constant 5 : i32
        %parallel_loop3A_114 = vector.broadcast %parallel_loop3A_113 : i32 to vector<16xi32>
        %parallel_loop3A_115 = tpu.vector_load_idx %arg6[%parallel_loop3A_96, %parallel_loop3A_114] : memref<128x17xf32, #tpu.memory_space<vmem>>[vector<16xi32>, vector<16xi32>], vector<16xf32>,
        %parallel_loop3A_116 = arith.addf %parallel_loop3A_108, %parallel_loop3A_115 : vector<16xf32>
        %parallel_loop3A_117 = arith.constant 6 : i32
        %parallel_loop3A_118 = vector.broadcast %parallel_loop3A_117 : i32 to vector<16xi32>
        %parallel_loop3A_119 = tpu.vector_load_idx %arg6[%parallel_loop3A_96, %parallel_loop3A_118] : memref<128x17xf32, #tpu.memory_space<vmem>>[vector<16xi32>, vector<16xi32>], vector<16xf32>,
        %parallel_loop3A_120 = arith.addf %parallel_loop3A_112, %parallel_loop3A_119 : vector<16xf32>
        %parallel_loop3A_121 = arith.constant 7 : i32
        %parallel_loop3A_122 = vector.broadcast %parallel_loop3A_121 : i32 to vector<16xi32>
        %parallel_loop3A_123 = tpu.vector_load_idx %arg6[%parallel_loop3A_96, %parallel_loop3A_122] : memref<128x17xf32, #tpu.memory_space<vmem>>[vector<16xi32>, vector<16xi32>], vector<16xf32>,
        %parallel_loop3A_124 = arith.addf %parallel_loop3A_116, %parallel_loop3A_123 : vector<16xf32>
        %parallel_loop3A_125 = arith.constant 8 : i32
        %parallel_loop3A_126 = vector.broadcast %parallel_loop3A_125 : i32 to vector<16xi32>
        %parallel_loop3A_127 = tpu.vector_load_idx %arg6[%parallel_loop3A_96, %parallel_loop3A_126] : memref<128x17xf32, #tpu.memory_space<vmem>>[vector<16xi32>, vector<16xi32>], vector<16xf32>,
        %parallel_loop3A_128 = arith.addf %parallel_loop3A_120, %parallel_loop3A_127 : vector<16xf32>
        %parallel_loop3A_129 = arith.constant 9 : i32
        %parallel_loop3A_130 = vector.broadcast %parallel_loop3A_129 : i32 to vector<16xi32>
        %parallel_loop3A_131 = tpu.vector_load_idx %arg6[%parallel_loop3A_96, %parallel_loop3A_130] : memref<128x17xf32, #tpu.memory_space<vmem>>[vector<16xi32>, vector<16xi32>], vector<16xf32>,
        %parallel_loop3A_132 = arith.addf %parallel_loop3A_124, %parallel_loop3A_131 : vector<16xf32>
        %parallel_loop3A_133 = arith.constant 10 : i32
        %parallel_loop3A_134 = vector.broadcast %parallel_loop3A_133 : i32 to vector<16xi32>
        %parallel_loop3A_135 = tpu.vector_load_idx %arg6[%parallel_loop3A_96, %parallel_loop3A_134] : memref<128x17xf32, #tpu.memory_space<vmem>>[vector<16xi32>, vector<16xi32>], vector<16xf32>,
        %parallel_loop3A_136 = arith.addf %parallel_loop3A_128, %parallel_loop3A_135 : vector<16xf32>
        %parallel_loop3A_137 = arith.constant 11 : i32
        %parallel_loop3A_138 = vector.broadcast %parallel_loop3A_137 : i32 to vector<16xi32>
        %parallel_loop3A_139 = tpu.vector_load_idx %arg6[%parallel_loop3A_96, %parallel_loop3A_138] : memref<128x17xf32, #tpu.memory_space<vmem>>[vector<16xi32>, vector<16xi32>], vector<16xf32>,
        %parallel_loop3A_140 = arith.addf %parallel_loop3A_132, %parallel_loop3A_139 : vector<16xf32>
        %parallel_loop3A_141 = arith.constant 12 : i32
        %parallel_loop3A_142 = vector.broadcast %parallel_loop3A_141 : i32 to vector<16xi32>
        %parallel_loop3A_143 = tpu.vector_load_idx %arg6[%parallel_loop3A_96, %parallel_loop3A_142] : memref<128x17xf32, #tpu.memory_space<vmem>>[vector<16xi32>, vector<16xi32>], vector<16xf32>,
        %parallel_loop3A_144 = arith.addf %parallel_loop3A_136, %parallel_loop3A_143 : vector<16xf32>
        %parallel_loop3A_145 = arith.constant 13 : i32
        %parallel_loop3A_146 = vector.broadcast %parallel_loop3A_145 : i32 to vector<16xi32>
        %parallel_loop3A_147 = tpu.vector_load_idx %arg6[%parallel_loop3A_96, %parallel_loop3A_146] : memref<128x17xf32, #tpu.memory_space<vmem>>[vector<16xi32>, vector<16xi32>], vector<16xf32>,
        %parallel_loop3A_148 = arith.addf %parallel_loop3A_140, %parallel_loop3A_147 : vector<16xf32>
        %parallel_loop3A_149 = arith.constant 14 : i32
        %parallel_loop3A_150 = vector.broadcast %parallel_loop3A_149 : i32 to vector<16xi32>
        %parallel_loop3A_151 = tpu.vector_load_idx %arg6[%parallel_loop3A_96, %parallel_loop3A_150] : memref<128x17xf32, #tpu.memory_space<vmem>>[vector<16xi32>, vector<16xi32>], vector<16xf32>,
        %parallel_loop3A_152 = arith.addf %parallel_loop3A_144, %parallel_loop3A_151 : vector<16xf32>
        %parallel_loop3A_153 = arith.addf %parallel_loop3A_152, %parallel_loop3A_148 : vector<16xf32>
        %parallel_loop3A_154 = arith.constant 0.00476190494 : f32
        %parallel_loop3A_155 = vector.broadcast %parallel_loop3A_154 : f32 to vector<16xf32>
        %parallel_loop3A_156 = arith.mulf %parallel_loop3A_153, %parallel_loop3A_155 : vector<16xf32>
        %parallel_loop3A_157 = arith.constant 16 : i32
        %parallel_loop3A_158 = arith.muli %parallel_loop3A_90, %parallel_loop3A_157 : i32
        %parallel_loop3A_159 = arith.index_cast %parallel_loop3A_158 : i32 to index
        %parallel_loop3A_160 = tpu.vector_load %arg8[%parallel_loop3A_159] {strides = array<i32>} : memref<128xf32, #tpu.memory_space<vmem>>, vector<16xf32>,
        tpu.vector_store %arg8[%parallel_loop3A_159], %parallel_loop3A_156 {strides = array<i32>} : memref<128xf32, #tpu.memory_space<vmem>>, vector<16xf32>,
      } {sc.loop_unroll_factor = 2 : i64, sc.parallel_access}
      %add3A_78 = arith.constant 2 : i32
      %add3A_79 = arith.addi %add3A_59, %add3A_78 : i32
      %lt3A_80 = arith.constant 24 : i32
      %lt3A_81 = arith.cmpi slt, %add3A_79, %lt3A_80 : i32
      %convert_element_type3A_82 = arith.extui %lt3A_81 : i1 to i32
      %cond3A_83 = arith.constant 0 : i32
      %cond3A_84 = arith.cmpi ne, %convert_element_type3A_82, %cond3A_83 : i32
      scf.if %cond3A_84 {
        %add3A_90 = arith.constant 2 : i32
        %add3A_91 = arith.addi %add3A_59, %add3A_90 : i32
        %mul3A_92 = arith.constant 128 : i32
        %mul3A_93 = arith.muli %add3A_91, %mul3A_92 : i32
        %add3A_94 = arith.addi %mul3A_2, %mul3A_93 : i32
        %dma_start3A_95 = arith.constant 0 : i32
        %dma_start3A_96 = tpu.memref_slice %arg2[%add3A_94, %dma_start3A_95] : memref<98304x256xf32, #tpu.memory_space<hbm>> -> memref<128x256xf32, #tpu.memory_space<hbm>>
        %dma_start3A_97 = arith.constant 0 : i32
        %dma_start3A_98 = tpu.memref_slice %arg2[%add3A_94, %dma_start3A_97] : memref<98304x256xf32, #tpu.memory_space<hbm>> -> memref<128x256xf32, #tpu.memory_space<hbm>>
        tpu.enqueue_dma source(%dma_start3A_98 : memref<128x256xf32, #tpu.memory_space<hbm>>) target(%arg5 : memref<128x256xf32, #tpu.memory_space<vmem>>) target_semaphore(%arg10 : memref<!tpu.dma_semaphore, #tpu.memory_space<semaphore_mem>>)
      } else {
      }
      %mul3A_85 = arith.constant 128 : i32
      %mul3A_86 = arith.muli %add3A_59, %mul3A_85 : i32
      %add3A_87 = arith.addi %mul3A_2, %mul3A_86 : i32
      %dma_start3A_88 = tpu.memref_slice %arg3[%add3A_87] : memref<98304xf32, #tpu.memory_space<hbm>> -> memref<128xf32, #tpu.memory_space<hbm>>
      %dma_start3A_89 = tpu.memref_slice %arg3[%add3A_87] : memref<98304xf32, #tpu.memory_space<hbm>> -> memref<128xf32, #tpu.memory_space<hbm>>
      tpu.enqueue_dma source(%arg8 : memref<128xf32, #tpu.memory_space<vmem>>) target(%dma_start3A_89 : memref<128xf32, #tpu.memory_space<hbm>>) target_semaphore(%arg12 : memref<!tpu.dma_semaphore, #tpu.memory_space<semaphore_mem>>)
    }
    %scan3A_18 = arith.constant 12 : i32
    %add3A_19 = arith.constant 2816 : i32
    %add3A_20 = arith.addi %mul3A_2, %add3A_19 : i32
    %dma_wait3A = tpu.memref_slice %arg3[%add3A_20] : memref<98304xf32, #tpu.memory_space<hbm>> -> memref<128xf32, #tpu.memory_space<hbm>>
    %dma_wait3A_21 = tpu.memref_slice %arg3[%add3A_20] : memref<98304xf32, #tpu.memory_space<hbm>> -> memref<128xf32, #tpu.memory_space<hbm>>
    tpu.wait_dma2 semaphore(%arg11 : memref<!tpu.dma_semaphore, #tpu.memory_space<semaphore_mem>>) src(%arg7 : memref<128xf32, #tpu.memory_space<vmem>>) dst(%dma_wait3A_21 : memref<128xf32, #tpu.memory_space<hbm>>)
    %add3A_22 = arith.constant 2944 : i32
    %add3A_23 = arith.addi %mul3A_2, %add3A_22 : i32
    %dma_wait3A_24 = tpu.memref_slice %arg3[%add3A_23] : memref<98304xf32, #tpu.memory_space<hbm>> -> memref<128xf32, #tpu.memory_space<hbm>>
    %dma_wait3A_25 = tpu.memref_slice %arg3[%add3A_23] : memref<98304xf32, #tpu.memory_space<hbm>> -> memref<128xf32, #tpu.memory_space<hbm>>
    tpu.wait_dma2 semaphore(%arg12 : memref<!tpu.dma_semaphore, #tpu.memory_space<semaphore_mem>>) src(%arg8 : memref<128xf32, #tpu.memory_space<vmem>>) dst(%dma_wait3A_25 : memref<128xf32, #tpu.memory_space<hbm>>)
    return
  }
}

</mosaic_0001>

<sc_bundles>
// kernel: kernel.3.cloned.1.call-start
scs
__scs_entry_jumppad:
0x0: {  	(pc) =	sbr.rel $0x88, $3  }
0x1: {  	(tag) =	ssettag $0x0;
	lr =	simm.s32 $0x1  }
0x2: {  	[smem:$0x3FA0] =	sst lr;
	_ =	strace $0xD0000000  }
0x3: {  	_ = 	snop  }
0x4: {  	_ = 	snop  }
0x5: {  	_ = 	snop  }
0x6: {  	_ = 	snop  }
0x7: {  	_ = 	snop  }
__scs_overlays_trampoline_lowered:
0x8: {  	[smem:$0x3FAF] =	sst s0  }
0x9: {  	[smem:$0x3FB0] =	sst s1  }
0xa: {  	[smem:$0x3FB1] =	sst s2  }
0xb: {  	[smem:$0x3FB2] =	sst s3  }
0xc: {  	[smem:$0x3FB3] =	sst s4  }
0xd: {  	[smem:$0x3FB4] =	sst s5  }
0xe: {  	[smem:$0x3FB5] =	sst s6  }
0xf: {  	[smem:$0x3FB6] =	sst s7  }
0x10: {  	[smem:$0x3FB7] =	sst s8  }
0x11: {  	[smem:$0x3FB8] =	sst s9;
	s0 =	simm.s32 @!p0 $0x0  }
0x12: {  	s1 =	sld [smem:$0x3F9E];
	s0 =	simm.s32 @p0 $0x1  }
0x13: {  	[smem:$0x3FB9] =	sst s0;
	s0 =	simm.s32 @!p1 $0x0  }
0x14: {  	s2 =	sld [smem:$0x3F9D];
	s0 =	simm.s32 @p1 $0x1  }
0x15: {  	[smem:$0x3FBA] =	sst s0;
	s0 =	simm.s32 @!p2 $0x0  }
0x16: {  	s3 =	sld [smem:$0x3FDB];
	s0 =	simm.s32 @p2 $0x1  }
0x17: {  	s4 =	simm.s32 $0x1BF5;
	[smem:$0x3FBC] =	sst s0  }
0x18: {  	s0 =	sld [smem:$0x3F9F];
	_ =	swait.ge [sflag:s4], $0x0  }
0x19: {  	s7 =	sld [smem:$0x3FA0]  }
0x1a: {  	s8 =	sadd.s32 $0xFFFFE003, lr  }
0x1b: {  	s9 =	sadd.s32 $0xFFFFFEF7, lr;
	s5 =	simm.s32 $0xFFFFFFFF;
	p2 =	slt.u32 s8, $0xFFFFF086  }
0x1c: {  	p1 =	slt.u32 s9, $0xF7A;
	s5 =	simm.s32 @!p2 $0x0  }
0x1d: {  	s5 =	simm.s32 @p1 $0x1;
	p0 =	seq.s32 s7, s2  }
0x1e: {  	s7 =	smul.u32 @!p0 $0xF7A, s2;
	p2 =	seq.s32 @!p0 s5, $0x0  }
0x1f: {  	s9 =	smul.u32 $0xF7A, s1;
	s8 =	simm.s32 @!p0 $0x1BF5;
	p2 =	por !p2, p0  }
0x20: {  	[sflag:s8] =	ssyncset.s32 @!p0 $0xFFFFF086;
	s6 =	sadd.s32 @!p0 s3, s7;
	s7 =	simm.s32 @!p0 $0x108  }
0x21: {  	s3 =	sadd.s32 s3, s9;
	s6 =	sadd.s32 @!p0 $0x88, s6;
	s7 =	simm.s32 @p2 $0x1082  }
0x22: {  	[simem:s7], [sflag:s8] =	dma.local @!p0 [hbm:s6], $0xF7A  }
0x23: {  	s9 =	sor.u32 $0xD0000000, s2;
	s6 =	simm.s32 $0x108;
	_ =	swait.ge @!p0 [sflag:s8], $0x0  }
0x24: {  	s3 =	sadd.s32 $0x88, s3;
	s6 =	simm.s32 @!p1 $0x1082;
	[sflag:s4] =	ssyncset.s32 $0xFFFFF086  }
0x25: {  	[simem:s6], [sflag:s4] =	dma.local [hbm:s3], $0xF7A  }
0x26: {  	[smem:$0x3FA0] =	sst s1;
	(tag) =	ssettag s2;
	_ =	strace s9  }
0x27: {  	s1 =	sld [smem:$0x3FB0]  }
0x28: {  	s2 =	sld [smem:$0x3FB1]  }
0x29: {  	s4 =	sld [smem:$0x3FB3]  }
0x2a: {  	p0 =	seq.s32 s5, $0x0;
	s5 =	sld [smem:$0x3FB4]  }
0x2b: {  	s6 =	sld [smem:$0x3FB5]  }
0x2c: {  	s7 =	sld [smem:$0x3FB6]  }
0x2d: {  	s3 =	simm.s32 $0x108;
	s8 =	sld [smem:$0x3FB7]  }
0x2e: {  	s3 =	simm.s32 @!p0 $0x1082;
	s9 =	sld [smem:$0x3FB8]  }
0x2f: {  	lr =	sadd.s32 s0, s3;
	s0 =	sld [smem:$0x3FAF]  }
0x30: {  	s3 =	sld [smem:$0x3FB2]  }
0x31: {  	[smem:$0x3FBB] =	sst s10  }
0x32: {  	s10 =	sld [smem:$0x3FB9];
	_ =	sdelay $0x3  }
0x33: {  	p0 =	seq.s32 s10, $0x1;
	s10 =	sld [smem:$0x3FBB];
	_ =	sdelay $0x3  }
0x34: {  	[smem:$0x3FBB] =	sst s10  }
0x35: {  	s10 =	sld [smem:$0x3FBA];
	_ =	sdelay $0x3  }
0x36: {  	p1 =	seq.s32 s10, $0x1;
	s10 =	sld [smem:$0x3FBB];
	_ =	sdelay $0x3  }
0x37: {  	[smem:$0x3FBB] =	sst s10  }
0x38: {  	s10 =	sld [smem:$0x3FBC]  }
0x39: {  	_ = 	snop;
	(pc) =	sbr.ind lr, $3  }
0x3a: {  	_ = 	snop  }
0x3b: {  	_ = 	snop  }
0x3c: {  	p2 =	seq.s32 s10, $0x1;
	s10 =	sld [smem:$0x3FBB]  }
0x3d: {  	_ =	shalt  }
0x3e: {  	_ =	shalt  }
0x3f: {  	_ =	shalt  }
0x40: {  	_ =	shalt  }
0x41: {  	_ =	shalt  }
0x42: {  	_ =	shalt  }
0x43: {  	_ =	shalt  }
0x44: {  	_ =	shalt  }
0x45: {  	_ =	shalt  }
0x46: {  	_ =	shalt  }
0x47: {  	_ =	shalt  }
0x48: {  	_ =	shalt  }
0x49: {  	_ =	shalt  }
0x4a: {  	_ =	shalt  }
0x4b: {  	_ =	shalt  }
0x4c: {  	_ =	shalt  }
0x4d: {  	_ =	shalt  }
0x4e: {  	_ =	shalt  }
0x4f: {  	_ =	shalt  }
0x50: {  	_ =	shalt  }
0x51: {  	_ =	shalt  }
0x52: {  	_ =	shalt  }
0x53: {  	_ =	shalt  }
0x54: {  	_ =	shalt  }
0x55: {  	_ =	shalt  }
0x56: {  	_ =	shalt  }
0x57: {  	_ =	shalt  }
0x58: {  	_ =	shalt  }
0x59: {  	_ =	shalt  }
0x5a: {  	_ =	shalt  }
0x5b: {  	_ =	shalt  }
0x5c: {  	_ =	shalt  }
0x5d: {  	_ =	shalt  }
0x5e: {  	_ =	shalt  }
0x5f: {  	_ =	shalt  }
0x60: {  	_ =	shalt  }
0x61: {  	_ =	shalt  }
0x62: {  	_ =	shalt  }
0x63: {  	_ =	shalt  }
0x64: {  	_ =	shalt  }
0x65: {  	_ =	shalt  }
0x66: {  	_ =	shalt  }
0x67: {  	_ =	shalt  }
0x68: {  	_ =	shalt  }
0x69: {  	_ =	shalt  }
0x6a: {  	_ =	shalt  }
0x6b: {  	_ =	shalt  }
0x6c: {  	_ =	shalt  }
0x6d: {  	_ =	shalt  }
0x6e: {  	_ =	shalt  }
0x6f: {  	_ =	shalt  }
0x70: {  	_ =	shalt  }
0x71: {  	_ =	shalt  }
0x72: {  	_ =	shalt  }
0x73: {  	_ =	shalt  }
0x74: {  	_ =	shalt  }
0x75: {  	_ =	shalt  }
0x76: {  	_ =	shalt  }
0x77: {  	_ =	shalt  }
0x78: {  	_ =	shalt  }
0x79: {  	_ =	shalt  }
0x7a: {  	_ =	shalt  }
0x7b: {  	_ =	shalt  }
0x7c: {  	_ =	shalt  }
0x7d: {  	_ =	shalt  }
0x7e: {  	_ =	shalt  }
0x7f: {  	_ =	shalt  }
0x80: {  	_ =	shalt  }
0x81: {  	_ =	shalt  }
0x82: {  	_ =	shalt  }
0x83: {  	_ =	shalt  }
0x84: {  	_ =	shalt  }
0x85: {  	_ =	shalt  }
0x86: {  	_ =	shalt  }
0x87: {  	_ =	shalt  }
.Lfunc_end0:
.L_simem_size_0:
called_computation_lowered:
.L_overlay_start_0:
0x88: {  	s2 =	sld [smem:$0x3FD9]  }
0x89: {  	s3 =	sld [smem:$0x3FFE];
	_ =	sdelay $0x1  }
0x8a: {  	s1 =	srdreg.scid  }
0x8b: {  	s0 =	sand.u32 $0x1, s1  }
0x8c: {  	s17 =	sshll.u32 s0, $0xA;
	s2 =	sadd.s32 s3, s2  }
0x8d: {  	s2 =	sadd.s32 s2, s17  }
0x8e: {  	[smem:$0x3FC7] =	sst s2  }
0x8f: {  	_ = 	snop  }
0x90: {  	s2 =	sld [smem:$0x3FD0];
	(tm) =	ssettm $0x1  }
0x91: {  	s18 =	sld [smem:$0x3FFB];
	_ =	sdelay $0x3  }
0x92: {  	_ =	strace s18  }
0x93: {  	s3 =	sld [smem:$0x3FFC];
	_ =	sdelay $0x3  }
0x94: {  	_ =	strace s3  }
0x95: {  	s3 =	sld [smem:$0x3FFD];
	_ =	sdelay $0x3  }
0x96: {  	_ =	strace s3  }
0x97: {  	_ =	strace $0x8FFFFFFF  }
0x98: {  	s19 =	sld [smem:$0x3FDB];
	_ =	sdelay $0x1  }
0x99: {  	s4 =	simm.s32 $_scs_section_size  }
0x9a: {  	s5 =	simm.s32 $_size__tile_overlayer_lowered;
	s6 =	simm.s32 $_tile_overlayer_lowered  }
0x9b: {  	s22 =	simm.s32 $0x1BFF;
	s21 =	sshll.u32 s6, $0x1;
	s3 =	sadd.s32 s4, s19  }
0x9c: {  	s7 =	simm.s32 $0x0;
	s20 =	sshll.u32 s5, $0x1;
	s5 =	sadd.s32 s21, s3  }
0x9d: {  	[timem:s7], [sflag:s22] =	dma.local [hbm:s5], s20  }
0x9e: {  	_ =	swait.ge [sflag:s22], s20  }
0x9f: {  	s4 =	ssub.s32 $0x0, s20;
	[sflag:s22] =	ssyncset.done $0x0  }
0xa0: {  	[sflag:s22] =	ssyncadd.s32 s4;
	_ =	sdelay $0x1  }
0xa1: {  	s23 =	simm.s32 $0x1B8B  }
0xa2: {  	_ =	swait.ge [sflag:s23], $0x1  }
0xa3: {  	[sflag:s23] =	ssyncset.done $0x0  }
0xa4: {  	s25 =	simm.s32 $0x1B8E;
	s24 =	sld [smem:$0x3FFE];
	[sflag:s23] =	ssyncadd.s32 $0xFFFFFFFF  }
0xa5: {  	s26 =	simm.s32 $execute0_lowered;
	[smem:$0x3FD2] =	sst s25  }
0xa6: {  	s5 =	sshll.u32 s26, $0x1;
	_ =	strace $0x80000046;
	[dreg:$0x1] =	wrdreg $0xFFFFFFFF  }
0xa7: {  	s28 =	simm.s32 $_size_execute0_lowered;
	s3 =	sadd.s32 s3, s5;
	[dreg:$0x0] =	wrdreg $0x0  }
0xa8: {  	s5 =	sshll.u32 s28, $0x1;
	[dreg:$0x2] =	wrdreg s3  }
0xa9: {  	[dreg:$0x3] =	wrdreg s5  }
0xaa: {  	[dreg:$0x4] =	wrdreg $0xC0  }
0xab: {  	_ =	task [dreg:s7], $0x5FFFF  }
0xac: {  	[dreg:$0x1] =	wrdreg $0xFFFFFFFF  }
0xad: {  	[dreg:$0x0] =	wrdreg $0x60  }
0xae: {  	[dreg:$0x2] =	wrdreg s24  }
0xaf: {  	[dreg:$0x3] =	wrdreg s2  }
0xb0: {  	[dreg:$0x4] =	wrdreg $0x9  }
0xb1: {  	_ =	task.clear_ibuf [dreg:s7], $0x5FFFF;
	_ =	strace $0x90000046  }
0xb2: {  	s29 =	simm.s32 $0x9;
	_ =	strace $0x80000048  }
0xb3: {  	_ =	swait.ge [sflag:s29], $0x1  }
0xb4: {  	[sflag:s29] =	ssyncadd.s32 $0xFFFFFFFF  }
0xb5: {  	_ =	strace $0x90000048  }
0xb6: {  	_ =	sfence  }
0xb7: {  	s30 =	sld [smem:$0x0];
	_ =	sdelay $0x2  }
0xb8: {  	s31 =	sshll.u32 s1, $0xD;
	s1 =	sshrl.u32 s1, $0x2  }
0xb9: {  	s3 =	sand.u32 $0x4000, s31;
	s1 =	sadd.s32 s1, s30  }
0xba: {  	s0 =	sor.u32 s3, s0;
	s1 =	sshll.u32 s1, $0x11  }
0xbb: {  	s0 =	sor.u32 s1, s0  }
0xbc: {  	s0 =	sadd.s32 $0x8F2B, s0  }
0xbd: {  	[sflag:s0] =	ssyncadd.remote.s32 $0x1  }
0xbe: {  	_ =	sfence.sel $0xFFFF  }
0xbf: {  	[dreg:$0x0] =	wrdreg $0xFFFFFFFF;
	(pc) =	sbr.abs _section_cstart, $3  }
0xc0: {  	[dreg:$0x1] =	wrdreg $0xFFFFFFFF  }
0xc1: {  	_ =	task.clear_ibuf [dreg:s7], $0x2FFFF;
	_ =	strace $0x9FFFFFFF  }
0xc2: {  	(tm) =	ssettm $0x7FFFFFFF  }
0xc3: {  	_ =	shalt  }
tec
execute0_lowered:
.L_overlay_start_1:
0x0: {  	(tag) =	ssettag $0x1  }
0x1: {  	s1 =	srdreg.scid;
	s2 =	stileid.u32  }
0x2: {  	s1 =	sand.u32 $0x1, s1;
	s2 =	sshll.u32 s2, $0x1  }
0x3: {  	s2 =	sor.u32 s1, s2  }
0x4: {  	s28 =	smul.u32 $0x18000, s2  }
0x5: {  	s0 =	rddreg [dreg:$0x0];
	s3 =	simm.s32 $0x0;
	s30 =	smul.u32 $0xC0000, s2  }
0x6: {  	[smem:$0x7FF] =	sst s3;
	s5 =	sadd.s32 $0x400, s0;
	s2 =	smul.u32 $0xC00, s2  }
0x7: {  	_ =	strace $0x80000047;
	[dreg:$0xa] =	wrdreg s5  }
0x8: {  	s3 =	sadd.s32 s5, s28;
	[dreg:$0xb] =	wrdreg s2  }
0x9: {  	s29 =	ssub.s32 $0x2, s1;
	s31 =	sor.u32 $0x10000, s30;
	[dreg:$0xc] =	wrdreg s3  }
0xa: {  	s4 =	sshrl.u32 s29, $0x1;
	s2 =	sor.u32 $0x80, s2;
	[dreg:$0xe] =	wrdreg s31  }
0xb: {  	s0 =	ssub.s32 s29, s4;
	s1 =	sor.u32 $0x18000, s30;
	[dreg:$0xf] =	wrdreg s2  }
0xc: {  	s0 =	smax.u32 s0, $0x1;
	[dreg:$0x10] =	wrdreg s1  }
0xd: {  	v0 =	vlaneseq.u32;
	s3 =	sadd.s32 $0x1000, s3;
	[dreg:$0x11] =	wrdreg s0  }
0xe: {  	s14 =	simm.s32 $0x10000;
	v0 =	vmul.u32 $0x80, v0;
	s2 =	simm.s32 $0x0;
	[dreg:$0xd] =	wrdreg s3  }
.LBB2_1:
0xf: {  	[dreg:$0x12] =	wrdreg s2  }
0x10: {  	s0 =	simm.s32 $0x0;
	s1 =	rddreg [dreg:$0xc]  }
0x11: {  	[tilespmem:s0], [sflag:$0x1] =	stream.linear.gather [hbm4b:s1+s0], $0x8000, $0x38;
	[tilespmem:$0x14100] =	vst v63  }
0x12: {  	s30 =	rddreg [dreg:$0xd];
	s31 =	simm.s32 $0x8000;
	s5 =	simm.s32 $0x0  }
0x13: {  	[tilespmem:s31], [sflag:$0x2] =	stream.linear.gather [hbm4b:s30+s0], $0x8000, $0x38;
	[tilespmem:$0x14100] =	vst v63  }
.LBB2_2:
0x14: {  	s0 =	simm.s32 $0x1  }
0x15: {  	_ =	swait.ge [sflag:s0], $0x8000  }
0x16: {  	p0 =	seq.s32 s5, $0x0;
	[sflag:s0] =	ssyncset.done $0x0  }
0x17: {  	[sflag:s0] =	ssyncadd.s32 $0xFFFF8000;
	s0 =	simm.s32 @!p0 $0x3  }
0x18: {  	s26 =	simm.s32 $0x0;
	s1 =	simm.s32 $0x100;
	_ =	swait.ge @!p0 [sflag:s0], $0x80  }
0x19: {  	s2 =	sand.u32 $0x7800, s26;
	s1 =	sand.u32 $0x300, s1;
	[sflag:s0] =	ssyncset.done @!p0 $0x0  }
0x1a: {  	s16 =	sor.u32 s1, s2;
	[sflag:s0] =	ssyncadd.s32 @!p0 $0xFFFFFF80  }
0x1b: {  	v1 =	vld [tilespmem:s16+$0x20]  }
0x1c: {  	v2 =	vld [tilespmem:s16+$0x50]  }
0x1d: {  	v3 =	vld [tilespmem:s16+$0x60]  }
0x1e: {  	s17 =	sand.u32 $0x3, s26;
	v4 =	vld [tilespmem:s16+$0x70]  }
0x1f: {  	s1 =	sshll.u32 s17, $0x8;
	v5 =	vld [tilespmem:s16+$0x0]  }
0x20: {  	s1 =	sadd.s32 $0x0, s1;
	v6 =	vld [tilespmem:s16+$0x10]  }
0x21: {  	s1 =	sadd.s32 $0x100, s1;
	v7 =	vld [tilespmem:s16+$0x30]  }
0x22: {  	s18 =	sor.u32 $0x430, s1;
	v8 =	vld [tilespmem:s16+$0x40]  }
0x23: {  	s3 =	sor.u32 $0x400, s1;
	v9 =	vld [tilespmem:s18+$0x0]  }
0x24: {  	s19 =	sor.u32 $0x410, s1;
	v10 =	vld [tilespmem:s3+$0x0]  }
0x25: {  	s20 =	sor.u32 $0x420, s1;
	v11 =	vld [tilespmem:s19+$0x0]  }
0x26: {  	s22 =	sor.u32 $0x440, s1;
	v12 =	vld [tilespmem:s20+$0x0]  }
0x27: {  	s28 =	simm.s32 $0x180;
	s23 =	sor.u32 $0x450, s1;
	v13 =	vld [tilespmem:s22+$0x0]  }
0x28: {  	s31 =	sand.u32 $0x380, s28;
	s24 =	sor.u32 $0x460, s1;
	v14 =	vld [tilespmem:s23+$0x0]  }
0x29: {  	s1 =	sor.u32 s31, s2;
	v16 =	vld [tilespmem:s24+$0x0]  }
0x2a: {  	v24 =	vld [tilespmem:s1+$0x0]  }
0x2b: {  	s25 =	simm.s32 $0x80;
	v25 =	vld [tilespmem:s1+$0x10]  }
0x2c: {  	s0 =	sand.u32 $0x280, s25;
	v26 =	vld [tilespmem:s1+$0x30]  }
0x2d: {  	s0 =	sor.u32 s0, s2;
	v27 =	vld [tilespmem:s1+$0x40]  }
0x2e: {  	v20 =	vld [tilespmem:s0+$0x0]  }
0x2f: {  	v21 =	vld [tilespmem:s0+$0x10]  }
0x30: {  	s21 =	simm.s32 $0x0;
	v22 =	vld [tilespmem:s0+$0x30]  }
0x31: {  	s3 =	sand.u32 $0x200, s21;
	v23 =	vld [tilespmem:s0+$0x40]  }
0x32: {  	s3 =	sor.u32 s3, s2;
	v32 =	vld [tilespmem:s0+$0x20]  }
0x33: {  	v15 =	vld [tilespmem:s3+$0x0]  }
0x34: {  	v17 =	vld [tilespmem:s3+$0x10]  }
0x35: {  	v18 =	vld [tilespmem:s3+$0x30]  }
0x36: {  	v19 =	vld [tilespmem:s3+$0x40]  }
0x37: {  	v28 =	vld [tilespmem:s3+$0x20]  }
0x38: {  	v29 =	vld [tilespmem:s3+$0x50]  }
0x39: {  	v30 =	vld [tilespmem:s3+$0x60]  }
0x3a: {  	v31 =	vld [tilespmem:s3+$0x70]  }
0x3b: {  	v5 =	vadd.f32 v7, v5;
	v7 =	vld [tilespmem:s0+$0x50]  }
0x3c: {  	s3 =	sand.u32 $0x7, s26;
	v1 =	vadd.f32 v2, v1;
	v2 =	vld [tilespmem:s0+$0x60]  }
0x3d: {  	s4 =	sshll.u32 s3, $0x7;
	v6 =	vadd.f32 v8, v6;
	v8 =	vld [tilespmem:s1+$0x50]  }
0x3e: {  	s2 =	sadd.s32 $0x0, s4;
	v3 =	vadd.f32 v3, v5;
	v5 =	vld [tilespmem:s0+$0x70]  }
0x3f: {  	s7 =	sadd.s32 $0x180, s2;
	v4 =	vadd.f32 v4, v6;
	v6 =	vld [tilespmem:s1+$0x20]  }
0x40: {  	p1 =	por $0x0, $0x0;
	s3 =	simm.s32 $0x1;
	s12 =	sor.u32 $0x410, s7;
	v1 =	vadd.f32 v10, v1;
	v10 =	vld [tilespmem:s1+$0x70]  }
0x41: {  	s3 =	simm.s32 @!p1 $0x0;
	s13 =	sor.u32 $0x420, s7;
	v50 =	vld [tilespmem:s12+$0x0]  }
0x42: {  	s11 =	sshll.u32 s3, $0x9;
	s0 =	sadd.s32 $0x80, s2;
	v53 =	vld [tilespmem:s13+$0x0]  }
0x43: {  	v51 =	vadd.f32 v26, v24;
	s2 =	sadd.s32 $0x0, s11;
	s6 =	sor.u32 $0x400, s0;
	v1 =	vadd.f32 v9, v1;
	v9 =	vld [tilespmem:s1+$0x60]  }
0x44: {  	v52 =	vadd.f32 v27, v25;
	s15 =	sor.u32 $0x400, s2;
	v3 =	vadd.f32 v11, v3;
	v11 =	vld [tilespmem:s6+$0x0]  }
0x45: {  	v49 =	vadd.f32 v23, v21;
	v54 =	vadd.f32 v29, v28;
	s16 =	sor.u32 $0x410, s2;
	v56 =	vld [tilespmem:s15+$0x0]  }
0x46: {  	s9 =	sor.u32 $0x420, s0;
	v4 =	vadd.f32 v12, v4;
	v12 =	vadd.f32 v18, v15;
	v58 =	vld [tilespmem:s16+$0x0]  }
0x47: {  	s10 =	sor.u32 $0x400, s7;
	v15 =	vadd.f32 v22, v20;
	v3 =	vadd.f32 v13, v3;
	v13 =	vld [tilespmem:s9+$0x0]  }
0x48: {  	s17 =	sor.u32 $0x420, s2;
	v4 =	vadd.f32 v14, v4;
	v1 =	vadd.f32 v16, v1;
	v14 =	vld [tilespmem:s10+$0x0]  }
0x49: {  	s19 =	sshll.u32 s5, $0x10;
	s22 =	rddreg [dreg:$0xb];
	s4 =	sor.u32 $0x410, s0;
	v55 =	vadd.f32 v30, v12;
	v2 =	vadd.f32 v2, v15;
	v15 =	vld [tilespmem:s17+$0x0]  }
0x4a: {  	v5 =	vadd.f32 v5, v49;
	v3 =	vadd.f32 v4, v3;
	v4 =	vld [tilespmem:s4+$0x0];
	[dreg:$0x14] =	wrdreg s19  }
0x4b: {  	s20 =	sshll.u32 s5, $0x8;
	s18 =	sor.u32 $0x430, s0;
	v6 =	vadd.f32 v8, v6;
	v60 =	vadd.f32 v10, v52;
	[dreg:$0x13] =	wrdreg s5  }
0x4c: {  	s4 =	sadd.s32 s22, s20;
	v59 =	vld [tilespmem:s18+$0x0];
	[dreg:$0x15] =	wrdreg s20;
	v1 =	vadd.f32 v1, v3;
	v3 =	vadd.f32 v19, v17  }
0x4d: {  	s21 =	sor.u32 $0x440, s0;
	v9 =	vadd.f32 v9, v51;
	[dreg:$0x17] =	wrdreg s4;
	v8 =	vadd.f32 v13, v5  }
0x4e: {  	s23 =	sor.u32 $0x450, s0;
	v62 =	vld [tilespmem:s21+$0x0];
	v5 =	vadd.f32 v53, v60;
	v57 =	vadd.f32 v31, v3  }
0x4f: {  	s29 =	simm.s32 $0x10100;
	s30 =	simm.s32 $0x0;
	s24 =	sor.u32 $0x430, s7;
	v10 =	vld [tilespmem:s23+$0x0];
	v3 =	vadd.f32 v7, v32;
	v7 =	vadd.f32 v14, v6  }
0x50: {  	p1 =	por !p1, !p1;
	s25 =	sor.u32 $0x440, s7;
	s8 =	sor.u32 $0x450, s7;
	v12 =	vld [tilespmem:s24+$0x0];
	v6 =	vadd.f32 v50, v9;
	v63 =	vadd.f32 v4, v2  }
0x51: {  	s7 =	sor.u32 $0x460, s7;
	s31 =	sor.u32 $0x430, s2;
	s11 =	sor.u32 $0x450, s2;
	v13 =	vld [tilespmem:s8+$0x0];
	v4 =	vadd.f32 v58, v55;
	v61 =	vadd.f32 v11, v3  }
0x52: {  	s12 =	sor.u32 $0x460, s2;
	s6 =	sor.u32 $0x440, s2;
	s1 =	simm.s32 $0x0;
	v9 =	vld [tilespmem:s31+$0x0];
	v3 =	vadd.f32 v56, v54;
	v2 =	vadd.f32 v15, v57  }
0x53: {  	s9 =	simm.s32 $0x14010;
	s18 =	sor.u32 $0x460, s0;
	s0 =	simm.s32 $0x4;
	[tilespmem:s29+$0x0] =	vst v1;
	v11 =	vld [tilespmem:s25+$0x0];
	v14 =	vadd.f32 v62, v63;
	v1 =	vadd.f32 v59, v61  }
.LBB2_3:
0x54: {  	_ = 	snop  }
0x55: {  	s2 =	simm.s32 $0x1;
	s3 =	sand.u32 $0x7, s0;
	v15 =	vld [tilespmem:s6+$0x0]  }
0x56: {  	s28 =	sadd.s32 $0x200, s28;
	s26 =	sadd.s32 $0x400, s26;
	s1 =	sadd.s32 $0x2, s1;
	v8 =	vadd.f32 v10, v8;
	v10 =	vld [tilespmem:s11+$0x0]  }
0x57: {  	s2 =	simm.s32 @!p1 $0x0;
	s3 =	sshll.u32 s3, $0x7;
	s5 =	sadd.s32 $0xFFFFFF80, s28;
	v7 =	vadd.f32 v12, v7;
	v12 =	vld [tilespmem:s18+$0x0]  }
0x58: {  	s31 =	sand.u32 $0x7800, s26;
	s13 =	sand.u32 $0x3, s1;
	s5 =	sand.u32 $0x300, s5;
	v6 =	vadd.f32 v11, v6;
	v11 =	vld [tilespmem:s7+$0x0]  }
0x59: {  	s2 =	sshll.u32 s2, $0x9;
	s5 =	sor.u32 s5, s31;
	v5 =	vadd.f32 v13, v5;
	v3 =	vadd.f32 v9, v3;
	v9 =	vld [tilespmem:s12+$0x0];
	s12 =	sadd.s32 s3, s26  }
0x5a: {  	v13 =	vld [tilespmem:s5+$0x20];
	s7 =	sadd.s32 s2, s26;
	s2 =	sshll.u32 s13, $0x8;
	s18 =	sadd.s32 $0x80, s12  }
0x5b: {  	s2 =	sadd.s32 s26, s2;
	v5 =	vadd.f32 v5, v6;
	v6 =	vld [tilespmem:s5+$0x50];
	s17 =	sor.u32 $0x420, s18  }
0x5c: {  	s11 =	sand.u32 $0x380, s28;
	[dreg:$0x8] =	wrdreg s17;
	s17 =	sadd.s32 $0x100, s2;
	v2 =	vadd.f32 v10, v2;
	v10 =	vld [tilespmem:s5+$0x60]  }
0x5d: {  	v4 =	vadd.f32 v15, v4;
	s19 =	sor.u32 s11, s31;
	s11 =	sor.u32 $0x420, s17;
	v1 =	vadd.f32 v12, v1;
	v12 =	vld [tilespmem:s5+$0x70]  }
0x5e: {  	s4 =	sadd.s32 $0xFFFFFE80, s28;
	s8 =	sadd.s32 $0xFFFFFF00, s28;
	v8 =	vadd.f32 v8, v14;
	v3 =	vadd.f32 v9, v3;
	v9 =	vld [tilespmem:s11+$0x0]  }
0x5f: {  	s4 =	sand.u32 $0x200, s4;
	s10 =	sand.u32 $0x280, s8;
	v2 =	vadd.f32 v2, v4;
	v4 =	vadd.f32 v11, v7;
	v7 =	vld [tilespmem:s5+$0x0]  }
0x60: {  	s8 =	sor.u32 s4, s31;
	s20 =	sor.u32 s10, s31;
	v1 =	vadd.f32 v1, v8;
	v8 =	vld [tilespmem:s5+$0x10]  }
0x61: {  	s25 =	sadd.s32 $0x180, s12;
	s22 =	sor.u32 $0x400, s7;
	s3 =	sor.u32 $0x410, s7;
	v4 =	vadd.f32 v4, v5;
	v5 =	vld [tilespmem:s5+$0x30]  }
0x62: {  	s24 =	sor.u32 $0x420, s7;
	s12 =	sor.u32 $0x430, s7;
	s2 =	sor.u32 $0x430, s17;
	[tilespmem:s29+$0xFFFFFF80] =	vst v1;
	v1 =	vld [tilespmem:s5+$0x40]  }
0x63: {  	s15 =	sor.u32 $0x400, s18;
	s16 =	sor.u32 $0x410, s18;
	s31 =	sor.u32 $0x440, s18;
	v2 =	vadd.f32 v3, v2;
	v3 =	vld [tilespmem:s2+$0x0]  }
0x64: {  	s10 =	sor.u32 $0x400, s25;
	s23 =	sor.u32 $0x410, s25;
	s21 =	sor.u32 $0x400, s17;
	v19 =	vld [tilespmem:s31+$0x0]  }
0x65: {  	s4 =	sor.u32 $0x440, s25;
	[dreg:$0x9] =	wrdreg s12;
	s6 =	sor.u32 $0x410, s17;
	[tilespmem:s29+$0xFFFFFF00] =	vst v2;
	v2 =	vld [tilespmem:s21+$0x0]  }
0x66: {  	s12 =	sor.u32 $0x460, s7;
	[dreg:$0x6] =	wrdreg s16;
	s16 =	sor.u32 $0x420, s25;
	[tilespmem:s29+$0x80] =	vst v4;
	v4 =	vld [tilespmem:s6+$0x0]  }
0x67: {  	s11 =	sor.u32 $0x450, s7;
	s2 =	sor.u32 $0x450, s25;
	s21 =	sor.u32 $0x430, s25;
	v11 =	vld [tilespmem:s8+$0x0]  }
0x68: {  	v6 =	vadd.f32 v6, v13;
	s6 =	sor.u32 $0x440, s7;
	s7 =	sor.u32 $0x460, s25;
	s25 =	rddreg [dreg:$0x8];
	v13 =	vld [tilespmem:s19+$0x50]  }
0x69: {  	[dreg:$0x7] =	wrdreg s15;
	s15 =	sor.u32 $0x440, s17;
	v15 =	vld [tilespmem:s25+$0x0];
	v5 =	vadd.f32 v5, v7  }
0x6a: {  	v1 =	vadd.f32 v1, v8;
	v7 =	vld [tilespmem:s15+$0x0];
	s15 =	sor.u32 $0x450, s17  }
0x6b: {  	s17 =	sor.u32 $0x460, s17;
	v8 =	vld [tilespmem:s15+$0x0];
	v5 =	vadd.f32 v10, v5  }
0x6c: {  	v1 =	vadd.f32 v12, v1;
	v2 =	vadd.f32 v2, v6;
	v6 =	vld [tilespmem:s17+$0x0]  }
0x6d: {  	v10 =	vld [tilespmem:s8+$0x10]  }
0x6e: {  	v4 =	vadd.f32 v4, v5;
	v1 =	vadd.f32 v9, v1;
	v5 =	vld [tilespmem:s8+$0x30]  }
0x6f: {  	v2 =	vadd.f32 v3, v2;
	v3 =	vld [tilespmem:s8+$0x40]  }
0x70: {  	v9 =	vld [tilespmem:s19+$0x30];
	v4 =	vadd.f32 v7, v4;
	v1 =	vadd.f32 v8, v1  }
0x71: {  	v7 =	vld [tilespmem:s20+$0x0]  }
0x72: {  	v2 =	vadd.f32 v6, v2;
	v1 =	vadd.f32 v1, v4;
	v4 =	vld [tilespmem:s20+$0x30]  }
0x73: {  	v8 =	vld [tilespmem:s20+$0x10]  }
0x74: {  	v6 =	vld [tilespmem:s20+$0x40];
	v1 =	vadd.f32 v2, v1  }
0x75: {  	s29 =	sadd.s32 $0x200, s29;
	v2 =	vadd.f32 v3, v10;
	v3 =	vld [tilespmem:s19+$0x0]  }
0x76: {  	[tilespmem:s29+$0x0] =	vst v1;
	v1 =	vld [tilespmem:s19+$0x10]  }
0x77: {  	v4 =	vadd.f32 v4, v7;
	v7 =	vld [tilespmem:s19+$0x40]  }
0x78: {  	v5 =	vadd.f32 v5, v11;
	v11 =	vld [tilespmem:s8+$0x60]  }
0x79: {  	v10 =	vld [tilespmem:s8+$0x20]  }
0x7a: {  	v6 =	vadd.f32 v6, v8;
	v8 =	vld [tilespmem:s8+$0x50]  }
0x7b: {  	v3 =	vadd.f32 v9, v3;
	v9 =	vld [tilespmem:s20+$0x20]  }
0x7c: {  	v1 =	vadd.f32 v7, v1;
	v7 =	vld [tilespmem:s20+$0x50]  }
0x7d: {  	v18 =	vld [tilespmem:s22+$0x0]  }
0x7e: {  	v12 =	vld [tilespmem:s8+$0x70]  }
0x7f: {  	v10 =	vadd.f32 v8, v10;
	v8 =	vld [tilespmem:s20+$0x60]  }
0x80: {  	v11 =	vadd.f32 v11, v5;
	v5 =	vld [tilespmem:s20+$0x70]  }
0x81: {  	s20 =	rddreg [dreg:$0x6];
	v7 =	vadd.f32 v7, v9;
	v9 =	vld [tilespmem:s19+$0x60]  }
0x82: {  	v14 =	vld [tilespmem:s20+$0x0]  }
0x83: {  	v2 =	vadd.f32 v12, v2;
	v12 =	vld [tilespmem:s19+$0x20]  }
0x84: {  	v4 =	vadd.f32 v8, v4;
	v8 =	vld [tilespmem:s19+$0x70];
	s19 =	rddreg [dreg:$0x7]  }
0x85: {  	v5 =	vadd.f32 v5, v6;
	v6 =	vld [tilespmem:s19+$0x0]  }
0x86: {  	v3 =	vadd.f32 v9, v3;
	v9 =	vld [tilespmem:s10+$0x0]  }
0x87: {  	v14 =	vadd.f32 v14, v4;
	v4 =	vld [tilespmem:s3+$0x0]  }
0x88: {  	v12 =	vadd.f32 v13, v12;
	v13 =	vld [tilespmem:s23+$0x0]  }
0x89: {  	v17 =	vld [tilespmem:s16+$0x0]  }
0x8a: {  	s30 =	sadd.s32 $0x4, s30;
	s13 =	sor.u32 $0x430, s18;
	v1 =	vadd.f32 v8, v1;
	v8 =	vadd.f32 v15, v5;
	v15 =	vld [tilespmem:s24+$0x0]  }
0x8b: {  	p2 =	slt.u32 s30, $0x7C;
	v16 =	vadd.f32 v6, v7;
	v7 =	vadd.f32 v9, v12;
	v9 =	vld [tilespmem:s13+$0x0]  }
.Ltmp0:
0x8c: {  	s5 =	sor.u32 $0x450, s18;
	v4 =	vadd.f32 v4, v11;
	v11 =	vld [tilespmem:s4+$0x0];
	(pc) =	sbr.rel @p2 .LBB2_3-.Ltmp0, $4  }
0x8d: {  	v6 =	vadd.f32 v13, v3;
	v3 =	vadd.f32 v18, v10;
	v10 =	vld [tilespmem:s5+$0x0]  }
0x8e: {  	v13 =	vld [tilespmem:s2+$0x0]  }
0x8f: {  	s31 =	rddreg [dreg:$0x9];
	v14 =	vadd.f32 v19, v14;
	v5 =	vadd.f32 v17, v1;
	v12 =	vld [tilespmem:s21+$0x0]  }
0x90: {  	s0 =	sadd.s32 $0x4, s0;
	p1 =	por !p1, !p1;
	s18 =	sor.u32 $0x460, s18;
	v2 =	vadd.f32 v15, v2;
	v1 =	vadd.f32 v9, v16;
	v9 =	vld [tilespmem:s31+$0x0]  }
0x91: {  	v15 =	vld [tilespmem:s6+$0x0]  }
0x92: {  	v16 =	vld [tilespmem:s11+$0x0];
	_ =	sdelay $0x2  }
0x93: {  	v8 =	vadd.f32 v10, v8;
	v10 =	vld [tilespmem:s18+$0x0]  }
0x94: {  	v6 =	vadd.f32 v11, v6;
	v11 =	vld [tilespmem:s12+$0x0];
	v7 =	vadd.f32 v12, v7  }
0x95: {  	v12 =	vld [tilespmem:s7+$0x0];
	v4 =	vadd.f32 v15, v4;
	v2 =	vadd.f32 v16, v2  }
0x96: {  	s1 =	simm.s32 $0x10;
	v5 =	vadd.f32 v13, v5  }
0x97: {  	v3 =	vadd.f32 v9, v3;
	v2 =	vadd.f32 v2, v4;
	v4 =	vmov s1  }
0x98: {  	v8 =	vadd.f32 v8, v14;
	v1 =	vadd.f32 v10, v1;
	v4 =	vshll.u32 v4, $0x7  }
0x99: {  	v5 =	vadd.f32 v5, v6;
	v3 =	vadd.f32 v11, v3;
	v4 =	vor.u32 v0, v4  }
0x9a: {  	v6 =	vadd.f32 v12, v7;
	v1 =	vadd.f32 v1, v8;
	v8 =	vor.u32 $0x1, v4  }
0x9b: {  	v2 =	vadd.f32 v3, v2;
	v17 =	vor.u32 $0x2, v4  }
0x9c: {  	v5 =	vadd.f32 v6, v5;
	[tilespmem:s29+$0xFFFFFF80] =	vst v1;
	v18 =	vor.u32 $0x3, v4  }
0x9d: {  	v19 =	vor.u32 $0x4, v4;
	[tilespmem:s29+$0xFFFFFF00] =	vst v2  }
0x9e: {  	v20 =	vor.u32 $0x5, v4;
	[tilespmem:s29+$0x80] =	vst v5  }
0x9f: {  	v21 =	vor.u32 $0x6, v4;
	v8 =	vld.idx.msk [tilespmem:v8+s14+$0x0], $0xffff  }
0xa0: {  	v22 =	vor.u32 $0x7, v4;
	v17 =	vld.idx.msk [tilespmem:v17+s14+$0x0], $0xffff  }
0xa1: {  	v23 =	vor.u32 $0x8, v4;
	v18 =	vld.idx.msk [tilespmem:v18+s14+$0x0], $0xffff  }
0xa2: {  	v24 =	vor.u32 $0x9, v4;
	v19 =	vld.idx.msk [tilespmem:v19+s14+$0x0], $0xffff  }
0xa3: {  	s0 =	simm.s32 $0x0;
	v25 =	vor.u32 $0xA, v4;
	v20 =	vld.idx.msk [tilespmem:v20+s14+$0x0], $0xffff  }
0xa4: {  	v7 =	vmov s0;
	v26 =	vor.u32 $0xB, v4;
	v21 =	vld.idx.msk [tilespmem:v21+s14+$0x0], $0xffff  }
0xa5: {  	v7 =	vshll.u32 v7, $0x7;
	v28 =	vor.u32 $0xD, v4;
	v22 =	vld.idx.msk [tilespmem:v22+s14+$0x0], $0xffff  }
0xa6: {  	v7 =	vor.u32 v0, v7;
	v27 =	vor.u32 $0xC, v4;
	v4 =	vor.u32 $0xE, v4;
	v23 =	vld.idx.msk [tilespmem:v23+s14+$0x0], $0xffff  }
0xa7: {  	v6 =	vor.u32 $0x1, v7;
	v24 =	vld.idx.msk [tilespmem:v24+s14+$0x0], $0xffff  }
0xa8: {  	v1 =	vor.u32 $0x2, v7;
	v25 =	vld.idx.msk [tilespmem:v25+s14+$0x0], $0xffff  }
0xa9: {  	v3 =	vor.u32 $0x3, v7;
	v26 =	vld.idx.msk [tilespmem:v26+s14+$0x0], $0xffff  }
0xaa: {  	v2 =	vor.u32 $0x4, v7;
	v28 =	vld.idx.msk [tilespmem:v28+s14+$0x0], $0xffff  }
0xab: {  	v9 =	vor.u32 $0x6, v7;
	v4 =	vld.idx.msk [tilespmem:v4+s14+$0x0], $0xffff  }
0xac: {  	v10 =	vor.u32 $0x7, v7;
	v6 =	vld.idx.msk [tilespmem:v6+s14+$0x0], $0xffff  }
0xad: {  	v11 =	vor.u32 $0x8, v7;
	v1 =	vld.idx.msk [tilespmem:v1+s14+$0x0], $0xffff  }
0xae: {  	v5 =	vor.u32 $0x5, v7;
	v3 =	vld.idx.msk [tilespmem:v3+s14+$0x0], $0xffff  }
0xaf: {  	v12 =	vor.u32 $0x9, v7;
	v2 =	vld.idx.msk [tilespmem:v2+s14+$0x0], $0xffff  }
0xb0: {  	v13 =	vor.u32 $0xA, v7;
	v9 =	vld.idx.msk [tilespmem:v9+s14+$0x0], $0xffff  }
0xb1: {  	s30 =	simm.s32 $0x30;
	v14 =	vor.u32 $0xB, v7;
	v10 =	vld.idx.msk [tilespmem:v10+s14+$0x0], $0xffff  }
0xb2: {  	s31 =	simm.s32 $0x20;
	v29 =	vmov s30;
	v15 =	vor.u32 $0xC, v7;
	v11 =	vld.idx.msk [tilespmem:v11+s14+$0x0], $0xffff  }
0xb3: {  	v30 =	vmov s31;
	v16 =	vor.u32 $0xD, v7;
	v5 =	vld.idx.msk [tilespmem:v5+s14+$0x0], $0xffff;
	v6 =	vadd.f32 $0.0e+00, v6  }
0xb4: {  	v29 =	vshll.u32 v29, $0x7;
	v7 =	vor.u32 $0xE, v7;
	v12 =	vld.idx.msk [tilespmem:v12+s14+$0x0], $0xffff;
	v1 =	vadd.f32 $0.0e+00, v1  }
0xb5: {  	v29 =	vor.u32 v0, v29;
	v13 =	vld.idx.msk [tilespmem:v13+s14+$0x0], $0xffff;
	v3 =	vadd.f32 v3, v6;
	v6 =	vshll.u32 v30, $0x7  }
0xb6: {  	v14 =	vld.idx.msk [tilespmem:v14+s14+$0x0], $0xffff;
	v1 =	vadd.f32 v2, v1;
	v2 =	vor.u32 v0, v6;
	v6 =	vor.u32 $0x1, v29  }
0xb7: {  	v15 =	vld.idx.msk [tilespmem:v15+s14+$0x0], $0xffff;
	v8 =	vadd.f32 $0.0e+00, v8;
	v57 =	vor.u32 $0x1, v2  }
0xb8: {  	v16 =	vld.idx.msk [tilespmem:v16+s14+$0x0], $0xffff;
	v3 =	vadd.f32 v5, v3;
	v1 =	vadd.f32 v9, v1;
	v5 =	vor.u32 $0x2, v2  }
0xb9: {  	v7 =	vld.idx.msk [tilespmem:v7+s14+$0x0], $0xffff;
	v8 =	vadd.f32 v18, v8;
	v18 =	vor.u32 $0x9, v2  }
0xba: {  	v9 =	vld.idx.msk [tilespmem:v27+s14+$0x0], $0xffff;
	v58 =	vor.u32 $0x3, v2;
	v3 =	vadd.f32 v10, v3;
	v1 =	vadd.f32 v11, v1  }
0xbb: {  	v10 =	vor.u32 $0x4, v2;
	v11 =	vadd.f32 $0.0e+00, v17;
	v31 =	vld.idx.msk [tilespmem:v6+s14+$0x0], $0xffff  }
0xbc: {  	v17 =	vor.u32 $0x5, v2;
	v3 =	vadd.f32 v12, v3;
	v1 =	vadd.f32 v13, v1;
	v6 =	vld.idx.msk [tilespmem:v57+s14+$0x0], $0xffff  }
0xbd: {  	v8 =	vadd.f32 v20, v8;
	v12 =	vor.u32 $0x6, v2;
	v11 =	vadd.f32 v19, v11;
	v5 =	vld.idx.msk [tilespmem:v5+s14+$0x0], $0xffff  }
0xbe: {  	v13 =	vor.u32 $0x7, v2;
	v18 =	vld.idx.msk [tilespmem:v18+s14+$0x0], $0xffff;
	v3 =	vadd.f32 v14, v3;
	v1 =	vadd.f32 v15, v1  }
0xbf: {  	v8 =	vadd.f32 v22, v8;
	v14 =	vld.idx.msk [tilespmem:v58+s14+$0x0], $0xffff;
	v15 =	vor.u32 $0x8, v2;
	v11 =	vadd.f32 v21, v11  }
0xc0: {  	v19 =	vor.u32 $0xC, v2;
	v10 =	vld.idx.msk [tilespmem:v10+s14+$0x0], $0xffff;
	v3 =	vadd.f32 v16, v3;
	v1 =	vadd.f32 v7, v1  }
0xc1: {  	v8 =	vadd.f32 v24, v8;
	v7 =	vld.idx.msk [tilespmem:v17+s14+$0x0], $0xffff;
	v16 =	vor.u32 $0xA, v2  }
0xc2: {  	v11 =	vadd.f32 v23, v11;
	v17 =	vor.u32 $0xB, v2;
	v12 =	vld.idx.msk [tilespmem:v12+s14+$0x0], $0xffff;
	v1 =	vadd.f32 v1, v3  }
0xc3: {  	v13 =	vld.idx.msk [tilespmem:v13+s14+$0x0], $0xffff;
	v3 =	vor.u32 $0x2, v29;
	v6 =	vadd.f32 $0.0e+00, v6;
	v5 =	vadd.f32 $0.0e+00, v5  }
0xc4: {  	v11 =	vadd.f32 v25, v11;
	v20 =	vld.idx.msk [tilespmem:v15+s14+$0x0], $0xffff;
	v15 =	vor.u32 $0xD, v2;
	v2 =	vor.u32 $0xE, v2  }
0xc5: {  	v19 =	vld.idx.msk [tilespmem:v19+s14+$0x0], $0xffff;
	v61 =	vmul.f32 $4.761904940e-03, v1;
	v1 =	vadd.f32 v14, v6;
	v5 =	vadd.f32 v10, v5  }
0xc6: {  	v59 =	vor.u32 $0x3, v29;
	v8 =	vadd.f32 v26, v8;
	v9 =	vadd.f32 v9, v11;
	v60 =	vld.idx.msk [tilespmem:v16+s14+$0x0], $0xffff  }
0xc7: {  	v6 =	vor.u32 $0x4, v29;
	v14 =	vld.idx.msk [tilespmem:v17+s14+$0x0], $0xffff;
	v7 =	vadd.f32 v7, v1;
	v5 =	vadd.f32 v12, v5  }
0xc8: {  	v8 =	vadd.f32 v28, v8;
	v17 =	vor.u32 $0x5, v29;
	v4 =	vadd.f32 v4, v9;
	v16 =	vld.idx.msk [tilespmem:v3+s14+$0x0], $0xffff  }
0xc9: {  	v62 =	vor.u32 $0x6, v29;
	v12 =	vld.idx.msk [tilespmem:v15+s14+$0x0], $0xffff;
	v7 =	vadd.f32 v13, v7;
	v9 =	vadd.f32 v20, v5  }
0xca: {  	v1 =	vor.u32 $0x7, v29;
	v3 =	vor.u32 $0xA, v29;
	v8 =	vadd.f32 v4, v8;
	v15 =	vld.idx.msk [tilespmem:v2+s14+$0x0], $0xffff  }
0xcb: {  	v11 =	vld.idx.msk [tilespmem:v59+s14+$0x0], $0xffff;
	v2 =	vor.u32 $0x8, v29;
	v18 =	vadd.f32 v18, v7;
	v63 =	vadd.f32 v60, v9  }
0xcc: {  	v5 =	vor.u32 $0x9, v29;
	v4 =	vor.u32 $0xB, v29;
	v10 =	vld.idx.msk [tilespmem:v6+s14+$0x0], $0xffff;
	v20 =	vmul.f32 $4.761904940e-03, v8  }
0xcd: {  	[tilespmem:s9+$0xFFFFFFF0] =	vst v61;
	v6 =	vor.u32 $0xD, v29;
	v13 =	vld.idx.msk [tilespmem:v17+s14+$0x0], $0xffff;
	v17 =	vadd.f32 v14, v18;
	v18 =	vadd.f32 v19, v63  }
0xce: {  	s1 =	simm.s32 $0x50;
	s0 =	simm.s32 $0x2;
	v8 =	vor.u32 $0xC, v29;
	v9 =	vadd.f32 $0.0e+00, v31;
	v7 =	vor.u32 $0xE, v29;
	[tilespmem:s9+$0x0] =	vst v20;
	v14 =	vld.idx.msk [tilespmem:v62+s14+$0x0], $0xffff  }
.LBB2_5:
0xcf: {  	s2 =	sadd.s32 $0xFFFFFFF0, s1;
	v19 =	vmov s1;
	v12 =	vadd.f32 v12, v17;
	v15 =	vadd.f32 v15, v18;
	v17 =	vld.idx.msk [tilespmem:v1+s14+$0x0], $0xffff  }
0xd0: {  	s0 =	sadd.s32 $0x2, s0;
	v16 =	vadd.f32 $0.0e+00, v16;
	v1 =	vmov s2;
	v18 =	vshll.u32 v19, $0x7;
	v19 =	vld.idx.msk [tilespmem:v2+s14+$0x0], $0xffff  }
0xd1: {  	p1 =	slt.u32 s0, $0x6;
	v1 =	vshll.u32 v1, $0x7;
	v18 =	vor.u32 v0, v18;
	v2 =	vadd.f32 v15, v12;
	v12 =	vld.idx.msk [tilespmem:v5+s14+$0x0], $0xffff  }
0xd2: {  	v15 =	vor.u32 v0, v1;
	v5 =	vor.u32 $0x1, v18;
	v20 =	vor.u32 $0x2, v18;
	v21 =	vld.idx.msk [tilespmem:v3+s14+$0x0], $0xffff  }
0xd3: {  	v22 =	vor.u32 $0x3, v18;
	v3 =	vor.u32 $0x1, v15;
	v2 =	vmul.f32 $4.761904940e-03, v2;
	v23 =	vld.idx.msk [tilespmem:v4+s14+$0x0], $0xffff  }
0xd4: {  	s9 =	sadd.s32 $0x20, s9;
	v24 =	vor.u32 $0x4, v18;
	v25 =	vor.u32 $0x5, v18;
	v4 =	vor.u32 $0x2, v15;
	v26 =	vld.idx.msk [tilespmem:v8+s14+$0x0], $0xffff  }
0xd5: {  	v27 =	vor.u32 $0x6, v18;
	v1 =	vor.u32 $0x7, v18;
	v8 =	vor.u32 $0x3, v15;
	[tilespmem:s9+$0xFFFFFFF0] =	vst v2;
	v28 =	vld.idx.msk [tilespmem:v6+s14+$0x0], $0xffff  }
0xd6: {  	v9 =	vadd.f32 v11, v9;
	v6 =	vor.u32 $0x4, v15;
	v2 =	vor.u32 $0x8, v18;
	v11 =	vld.idx.msk [tilespmem:v7+s14+$0x0], $0xffff  }
0xd7: {  	v10 =	vadd.f32 v10, v16;
	v7 =	vor.u32 $0x5, v15;
	v29 =	vld.idx.msk [tilespmem:v5+s14+$0x0], $0xffff;
	v5 =	vor.u32 $0x9, v18  }
0xd8: {  	v9 =	vadd.f32 v13, v9;
	v30 =	vor.u32 $0x6, v15;
	v16 =	vld.idx.msk [tilespmem:v3+s14+$0x0], $0xffff;
	v3 =	vor.u32 $0xA, v18  }
0xd9: {  	v31 =	vor.u32 $0x7, v15;
	v10 =	vadd.f32 v14, v10;
	v13 =	vld.idx.msk [tilespmem:v4+s14+$0x0], $0xffff;
	v4 =	vor.u32 $0xB, v18  }
0xda: {  	v32 =	vor.u32 $0x8, v15;
	v9 =	vadd.f32 v17, v9;
	v14 =	vld.idx.msk [tilespmem:v8+s14+$0x0], $0xffff;
	v8 =	vor.u32 $0xC, v18  }
0xdb: {  	v33 =	vor.u32 $0x9, v15;
	v10 =	vadd.f32 v19, v10;
	v17 =	vld.idx.msk [tilespmem:v6+s14+$0x0], $0xffff;
	v6 =	vor.u32 $0xD, v18  }
0xdc: {  	v34 =	vor.u32 $0xA, v15;
	v12 =	vadd.f32 v12, v9;
	v19 =	vld.idx.msk [tilespmem:v7+s14+$0x0], $0xffff;
	v7 =	vor.u32 $0xE, v18  }
0xdd: {  	v10 =	vadd.f32 v21, v10;
	v9 =	vadd.f32 $0.0e+00, v29;
	v18 =	vld.idx.msk [tilespmem:v30+s14+$0x0], $0xffff;
	v30 =	vor.u32 $0xB, v15  }
0xde: {  	v12 =	vadd.f32 v23, v12;
	v29 =	vor.u32 $0xC, v15;
	v21 =	vld.idx.msk [tilespmem:v31+s14+$0x0], $0xffff  }
0xdf: {  	v16 =	vadd.f32 $0.0e+00, v16;
	v13 =	vadd.f32 $0.0e+00, v13;
	v31 =	vor.u32 $0xD, v15;
	v23 =	vld.idx.msk [tilespmem:v32+s14+$0x0], $0xffff  }
0xe0: {  	v10 =	vadd.f32 v26, v10;
	v26 =	vadd.f32 v28, v12;
	v15 =	vor.u32 $0xE, v15;
	v32 =	vld.idx.msk [tilespmem:v33+s14+$0x0], $0xffff  }
0xe1: {  	v12 =	vadd.f32 v14, v16;
	v13 =	vadd.f32 v17, v13;
	v14 =	vld.idx.msk [tilespmem:v34+s14+$0x0], $0xffff  }
0xe2: {  	v10 =	vadd.f32 v11, v10;
	v17 =	vld.idx.msk [tilespmem:v30+s14+$0x0], $0xffff  }
0xe3: {  	v11 =	vadd.f32 v19, v12;
	v13 =	vadd.f32 v18, v13;
	v18 =	vld.idx.msk [tilespmem:v29+s14+$0x0], $0xffff  }
0xe4: {  	v10 =	vadd.f32 v10, v26;
	v12 =	vld.idx.msk [tilespmem:v31+s14+$0x0], $0xffff  }
0xe5: {  	v11 =	vadd.f32 v21, v11;
	v13 =	vadd.f32 v23, v13;
	v15 =	vld.idx.msk [tilespmem:v15+s14+$0x0], $0xffff  }
.Ltmp1:
0xe6: {  	v19 =	vmul.f32 $4.761904940e-03, v10;
	v16 =	vld.idx.msk [tilespmem:v20+s14+$0x0], $0xffff;
	(pc) =	sbr.rel @p1 .LBB2_5-.Ltmp1, $4  }
0xe7: {  	v20 =	vadd.f32 v32, v11;
	v13 =	vadd.f32 v14, v13;
	v11 =	vld.idx.msk [tilespmem:v22+s14+$0x0], $0xffff  }
0xe8: {  	v10 =	vld.idx.msk [tilespmem:v24+s14+$0x0], $0xffff;
	[tilespmem:s9+$0x0] =	vst v19  }
0xe9: {  	v17 =	vadd.f32 v17, v20;
	v18 =	vadd.f32 v18, v13;
	v13 =	vld.idx.msk [tilespmem:v25+s14+$0x0], $0xffff  }
0xea: {  	s1 =	sadd.s32 $0x20, s1;
	v14 =	vld.idx.msk [tilespmem:v27+s14+$0x0], $0xffff  }
0xeb: {  	_ =	sdelay $0x3  }
0xec: {  	v1 =	vld.idx.msk [tilespmem:v1+s14+$0x0], $0xffff;
	v16 =	vadd.f32 $0.0e+00, v16  }
0xed: {  	v2 =	vld.idx.msk [tilespmem:v2+s14+$0x0], $0xffff  }
0xee: {  	v5 =	vld.idx.msk [tilespmem:v5+s14+$0x0], $0xffff;
	v9 =	vadd.f32 v11, v9;
	v10 =	vadd.f32 v10, v16  }
0xef: {  	v3 =	vld.idx.msk [tilespmem:v3+s14+$0x0], $0xffff  }
0xf0: {  	v4 =	vld.idx.msk [tilespmem:v4+s14+$0x0], $0xffff;
	v9 =	vadd.f32 v13, v9;
	v10 =	vadd.f32 v14, v10  }
0xf1: {  	v8 =	vld.idx.msk [tilespmem:v8+s14+$0x0], $0xffff  }
0xf2: {  	v6 =	vld.idx.msk [tilespmem:v6+s14+$0x0], $0xffff;
	v1 =	vadd.f32 v1, v9;
	v2 =	vadd.f32 v2, v10  }
0xf3: {  	v7 =	vld.idx.msk [tilespmem:v7+s14+$0x0], $0xffff  }
0xf4: {  	v1 =	vadd.f32 v5, v1;
	v2 =	vadd.f32 v3, v2;
	_ =	sdelay $0x1  }
0xf5: {  	v1 =	vadd.f32 v4, v1;
	v2 =	vadd.f32 v8, v2  }
0xf6: {  	v3 =	vadd.f32 v12, v17;
	v4 =	vadd.f32 v15, v18  }
0xf7: {  	v1 =	vadd.f32 v6, v1;
	v2 =	vadd.f32 v7, v2  }
0xf8: {  	v3 =	vadd.f32 v4, v3  }
0xf9: {  	v1 =	vadd.f32 v2, v1  }
0xfa: {  	s0 =	rddreg [dreg:$0x13];
	v2 =	vmul.f32 $4.761904940e-03, v3  }
0xfb: {  	s5 =	sadd.s32 $0x20, s9;
	s1 =	rddreg [dreg:$0xe];
	v1 =	vmul.f32 $4.761904940e-03, v1  }
0xfc: {  	s2 =	rddreg [dreg:$0x14];
	p1 =	seq.s32 s0, $0xB;
	[tilespmem:s5+$0xFFFFFFF0] =	vst v2  }
0xfd: {  	s1 =	sadd.s32 @!p1 s2, s1;
	[tilespmem:s5+$0x0] =	vst v1  }
0xfe: {  	s1 =	sshrl.u32 @!p1 s1, $0x3;
	s0 =	rddreg [dreg:$0xa]  }
0xff: {  	s6 =	rddreg [dreg:$0x17];
	s0 =	sadd.s32 @!p1 s0, s1;
	s1 =	simm.s32 @!p1 $0x0  }
0x100: {  	[tilespmem:s1], [sflag:$0x1] =	stream.linear.gather @!p1 [hbm4b:s0+s1], $0x8000, $0x38;
	[tilespmem:$0x14100] =	vst v63  }
0x101: {  	s7 =	rddreg [dreg:$0x1];
	s8 =	simm.s32 $0x0;
	s0 =	sshrl.u32 s6, $0x3  }
0x102: {  	s9 =	simm.s32 $0x14000;
	s10 =	simm.s32 $0x2;
	s0 =	sadd.s32 s7, s0  }
0x103: {  	[hbm4b:s0+s8] =	stream.linear.scatter [tilespmem:s9], [sflag:$0x3], $0x80, $0x38;
	[tilespmem:$0x14100] =	vst v63  }
0x104: {  	_ =	swait.ge [sflag:s10], $0x8000  }
0x105: {  	[sflag:s10] =	ssyncset.done $0x0  }
0x106: {  	s25 =	simm.s32 $0x0;
	s0 =	simm.s32 @!p0 $0x4;
	[sflag:s10] =	ssyncadd.s32 $0xFFFF8000  }
0x107: {  	s26 =	simm.s32 $0x180;
	s11 =	sand.u32 $0x7800, s25;
	_ =	swait.ge @!p0 [sflag:s0], $0x80  }
0x108: {  	s12 =	sand.u32 $0x380, s26;
	s1 =	sor.u32 $0x8000, s11;
	[sflag:s0] =	ssyncset.done @!p0 $0x0  }
0x109: {  	s13 =	sor.u32 s12, s1;
	[sflag:s0] =	ssyncadd.s32 @!p0 $0xFFFFFF80  }
0x10a: {  	v1 =	vld [tilespmem:s13+$0x20]  }
0x10b: {  	v2 =	vld [tilespmem:s13+$0x50]  }
0x10c: {  	v3 =	vld [tilespmem:s13+$0x60]  }
0x10d: {  	s15 =	sand.u32 $0x7, s25;
	v4 =	vld [tilespmem:s13+$0x70]  }
0x10e: {  	s2 =	sshll.u32 s15, $0x7;
	v5 =	vld [tilespmem:s13+$0x0]  }
0x10f: {  	s2 =	sadd.s32 $0x0, s2;
	v6 =	vld [tilespmem:s13+$0x10]  }
0x110: {  	s3 =	sadd.s32 $0x180, s2;
	v7 =	vld [tilespmem:s13+$0x30]  }
0x111: {  	s16 =	sor.u32 $0x430, s3;
	v8 =	vld [tilespmem:s13+$0x40]  }
0x112: {  	s4 =	sor.u32 $0x400, s3;
	v9 =	vld [tilespmem:s16+$0x8000]  }
0x113: {  	s17 =	sor.u32 $0x410, s3;
	v10 =	vld [tilespmem:s4+$0x8000]  }
0x114: {  	s18 =	sor.u32 $0x420, s3;
	v11 =	vld [tilespmem:s17+$0x8000]  }
0x115: {  	s20 =	sor.u32 $0x440, s3;
	v12 =	vld [tilespmem:s18+$0x8000]  }
0x116: {  	s23 =	simm.s32 $0x80;
	s21 =	sor.u32 $0x450, s3;
	v13 =	vld [tilespmem:s20+$0x8000]  }
0x117: {  	s22 =	sor.u32 $0x460, s3;
	s0 =	sand.u32 $0x280, s23;
	v14 =	vld [tilespmem:s21+$0x8000]  }
0x118: {  	v46 =	vld [tilespmem:s22+$0x8000];
	s0 =	sor.u32 s0, s1  }
0x119: {  	v20 =	vld [tilespmem:s0+$0x0]  }
0x11a: {  	v21 =	vld [tilespmem:s0+$0x10]  }
0x11b: {  	s19 =	simm.s32 $0x0;
	v22 =	vld [tilespmem:s0+$0x30]  }
0x11c: {  	s4 =	sand.u32 $0x200, s19;
	v23 =	vld [tilespmem:s0+$0x40]  }
0x11d: {  	s4 =	sor.u32 s4, s1;
	v32 =	vld [tilespmem:s0+$0x20]  }
0x11e: {  	v15 =	vld [tilespmem:s4+$0x0]  }
0x11f: {  	s24 =	simm.s32 $0x100;
	v47 =	vld [tilespmem:s4+$0x10]  }
0x120: {  	s3 =	sand.u32 $0x300, s24;
	v48 =	vld [tilespmem:s4+$0x30]  }
0x121: {  	s1 =	sor.u32 s3, s1;
	v19 =	vld [tilespmem:s4+$0x40]  }
0x122: {  	v24 =	vld [tilespmem:s1+$0x0]  }
0x123: {  	v25 =	vld [tilespmem:s1+$0x10]  }
0x124: {  	v26 =	vld [tilespmem:s1+$0x30]  }
0x125: {  	v27 =	vld [tilespmem:s1+$0x40]  }
0x126: {  	v28 =	vld [tilespmem:s4+$0x20]  }
0x127: {  	v29 =	vld [tilespmem:s4+$0x50]  }
0x128: {  	p0 =	por $0x0, $0x0;
	s3 =	simm.s32 $0x1;
	v30 =	vld [tilespmem:s4+$0x60]  }
0x129: {  	v31 =	vld [tilespmem:s4+$0x70];
	s3 =	simm.s32 @!p0 $0x0  }
0x12a: {  	s3 =	sshll.u32 s3, $0x9;
	v5 =	vadd.f32 v7, v5;
	v7 =	vld [tilespmem:s0+$0x50]  }
0x12b: {  	s12 =	sadd.s32 $0x0, s3;
	v1 =	vadd.f32 v2, v1;
	v2 =	vld [tilespmem:s0+$0x60]  }
0x12c: {  	v6 =	vadd.f32 v8, v6;
	v8 =	vld [tilespmem:s1+$0x50];
	s15 =	sor.u32 $0x400, s12  }
0x12d: {  	s16 =	sor.u32 $0x410, s12;
	v56 =	vld [tilespmem:s15+$0x8000]  }
0x12e: {  	v49 =	vadd.f32 v23, v21;
	v58 =	vld [tilespmem:s16+$0x8000]  }
0x12f: {  	v3 =	vadd.f32 v3, v5;
	v4 =	vadd.f32 v4, v6;
	v5 =	vld [tilespmem:s0+$0x70]  }
0x130: {  	s4 =	sand.u32 $0x3, s25;
	v1 =	vadd.f32 v10, v1;
	v6 =	vld [tilespmem:s1+$0x20];
	v51 =	vadd.f32 v26, v24  }
0x131: {  	s5 =	sshll.u32 s4, $0x8;
	s0 =	sadd.s32 $0x80, s2;
	v10 =	vld [tilespmem:s1+$0x70];
	v52 =	vadd.f32 v27, v25;
	v54 =	vadd.f32 v29, v28  }
0x132: {  	s7 =	sadd.s32 $0x0, s5;
	s6 =	sor.u32 $0x400, s0;
	v3 =	vadd.f32 v11, v3;
	v1 =	vadd.f32 v9, v1;
	v9 =	vld [tilespmem:s1+$0x60]  }
0x133: {  	s9 =	sor.u32 $0x420, s0;
	v4 =	vadd.f32 v12, v4;
	v11 =	vld [tilespmem:s6+$0x8000];
	s1 =	sadd.s32 $0x100, s7;
	v12 =	vadd.f32 v48, v15  }
0x134: {  	v15 =	vadd.f32 v22, v20;
	s10 =	sor.u32 $0x400, s1;
	v3 =	vadd.f32 v13, v3;
	v13 =	vld [tilespmem:s9+$0x8000]  }
0x135: {  	s11 =	sor.u32 $0x410, s1;
	v4 =	vadd.f32 v14, v4;
	v1 =	vadd.f32 v46, v1;
	v14 =	vld [tilespmem:s10+$0x8000]  }
0x136: {  	s13 =	sor.u32 $0x420, s1;
	v50 =	vld [tilespmem:s11+$0x8000];
	v55 =	vadd.f32 v30, v12;
	v2 =	vadd.f32 v2, v15  }
0x137: {  	s20 =	rddreg [dreg:$0xf];
	s8 =	sor.u32 $0x410, s0;
	v53 =	vld [tilespmem:s13+$0x8000];
	v5 =	vadd.f32 v5, v49;
	v3 =	vadd.f32 v4, v3  }
0x138: {  	s5 =	rddreg [dreg:$0x15];
	s18 =	sor.u32 $0x430, s0;
	v6 =	vadd.f32 v8, v6;
	v4 =	vld [tilespmem:s8+$0x8000];
	v9 =	vadd.f32 v9, v51  }
0x139: {  	s17 =	sor.u32 $0x420, s12;
	s3 =	sadd.s32 s5, s20;
	v59 =	vld [tilespmem:s18+$0x8000];
	v1 =	vadd.f32 v1, v3;
	v3 =	vadd.f32 v19, v47  }
0x13a: {  	s19 =	sor.u32 $0x440, s0;
	v15 =	vld [tilespmem:s17+$0x8000];
	v60 =	vadd.f32 v10, v52;
	[dreg:$0x16] =	wrdreg s3;
	v8 =	vadd.f32 v13, v5  }
0x13b: {  	s21 =	sor.u32 $0x450, s0;
	v62 =	vld [tilespmem:s19+$0x8000];
	v5 =	vadd.f32 v50, v9;
	v57 =	vadd.f32 v31, v3  }
0x13c: {  	s28 =	simm.s32 $0x10100;
	s29 =	simm.s32 $0x0;
	s22 =	sor.u32 $0x430, s1;
	v10 =	vld [tilespmem:s21+$0x8000];
	v3 =	vadd.f32 v7, v32;
	v7 =	vadd.f32 v14, v6  }
0x13d: {  	s30 =	simm.s32 $0x2;
	s31 =	simm.s32 $0x0;
	s24 =	sor.u32 $0x450, s1;
	v12 =	vld [tilespmem:s22+$0x8000];
	v6 =	vadd.f32 v53, v60;
	v63 =	vadd.f32 v4, v2  }
0x13e: {  	p0 =	por !p0, !p0;
	s20 =	simm.s32 $0x14090;
	s8 =	sor.u32 $0x430, s12;
	v13 =	vld [tilespmem:s24+$0x8000];
	v4 =	vadd.f32 v58, v55;
	v61 =	vadd.f32 v11, v3  }
0x13f: {  	s6 =	sor.u32 $0x440, s12;
	s7 =	sor.u32 $0x460, s0;
	s23 =	sor.u32 $0x440, s1;
	v9 =	vld [tilespmem:s8+$0x8000];
	v3 =	vadd.f32 v56, v54;
	v2 =	vadd.f32 v15, v57  }
0x140: {  	s0 =	sor.u32 $0x460, s12;
	s1 =	sor.u32 $0x460, s1;
	s11 =	sor.u32 $0x450, s12;
	[tilespmem:s28+$0x80] =	vst v1;
	v11 =	vld [tilespmem:s23+$0x8000];
	v14 =	vadd.f32 v62, v63;
	v1 =	vadd.f32 v59, v61  }
.LBB2_7:
0x141: {  	s2 =	simm.s32 $0x1;
	s3 =	sand.u32 $0x3, s30  }
0x142: {  	v15 =	vld [tilespmem:s6+$0x8000];
	s25 =	sadd.s32 $0x400, s25;
	s26 =	sadd.s32 $0x200, s26;
	s31 =	sadd.s32 $0x4, s31  }
0x143: {  	s2 =	simm.s32 @!p0 $0x0;
	s12 =	sshll.u32 s3, $0x8;
	s13 =	sand.u32 $0x7800, s25;
	v8 =	vadd.f32 v10, v8;
	v10 =	vld [tilespmem:s11+$0x8000]  }
0x144: {  	s5 =	sadd.s32 $0xFFFFFE80, s26;
	s16 =	sand.u32 $0x380, s26;
	s17 =	sadd.s32 $0xFFFFFF00, s26;
	v7 =	vadd.f32 v12, v7;
	v12 =	vld [tilespmem:s7+$0x8000]  }
0x145: {  	s22 =	sand.u32 $0x7, s31;
	s4 =	sshll.u32 s2, $0x9;
	s15 =	sor.u32 $0x8000, s13;
	v5 =	vadd.f32 v11, v5;
	v11 =	vld [tilespmem:s1+$0x8000]  }
0x146: {  	s3 =	sadd.s32 s25, s12;
	s8 =	sor.u32 s16, s15;
	v6 =	vadd.f32 v13, v6;
	v3 =	vadd.f32 v9, v3;
	v9 =	vld [tilespmem:s0+$0x8000];
	s1 =	sand.u32 $0x280, s17  }
0x147: {  	v13 =	vld [tilespmem:s8+$0x20];
	s2 =	sor.u32 s1, s15;
	s1 =	sadd.s32 $0x100, s3;
	s3 =	sshll.u32 s22, $0x7  }
0x148: {  	s19 =	sand.u32 $0x200, s5;
	v5 =	vadd.f32 v6, v5;
	v6 =	vld [tilespmem:s8+$0x50];
	s3 =	sadd.s32 s3, s25  }
0x149: {  	s16 =	sor.u32 s19, s15;
	s19 =	sadd.s32 $0x180, s3;
	v2 =	vadd.f32 v10, v2;
	v10 =	vld [tilespmem:s8+$0x60]  }
0x14a: {  	v4 =	vadd.f32 v15, v4;
	s11 =	sor.u32 $0x420, s19;
	v1 =	vadd.f32 v12, v1;
	v12 =	vld [tilespmem:s8+$0x70]  }
0x14b: {  	v8 =	vadd.f32 v8, v14;
	v3 =	vadd.f32 v9, v3;
	v9 =	vld [tilespmem:s11+$0x8000]  }
0x14c: {  	v2 =	vadd.f32 v2, v4;
	v4 =	vadd.f32 v11, v7;
	v7 =	vld [tilespmem:s8+$0x0]  }
0x14d: {  	v1 =	vadd.f32 v1, v8;
	v8 =	vld [tilespmem:s8+$0x10]  }
0x14e: {  	v4 =	vadd.f32 v4, v5;
	v5 =	vld [tilespmem:s8+$0x30]  }
0x14f: {  	s7 =	sadd.s32 $0x80, s3;
	s6 =	sor.u32 $0x430, s19;
	[tilespmem:s28+$0xFFFFFF80] =	vst v1;
	v1 =	vld [tilespmem:s8+$0x40]  }
0x150: {  	s22 =	sor.u32 $0x410, s7;
	v2 =	vadd.f32 v3, v2;
	v3 =	vld [tilespmem:s6+$0x8000]  }
0x151: {  	s3 =	sor.u32 $0x420, s7;
	v14 =	vld [tilespmem:s22+$0x8000]  }
0x152: {  	s10 =	sor.u32 $0x440, s7;
	v15 =	vld [tilespmem:s3+$0x8000]  }
0x153: {  	s8 =	sor.u32 $0x400, s19;
	v63 =	vld [tilespmem:s10+$0x8000]  }
0x154: {  	s9 =	sor.u32 $0x410, s19;
	[tilespmem:s28+$0xFFFFFF00] =	vst v2;
	v2 =	vld [tilespmem:s8+$0x8000]  }
0x155: {  	s24 =	sor.u32 $0x410, s1;
	[tilespmem:s28+$0x0] =	vst v4;
	v4 =	vld [tilespmem:s9+$0x8000]  }
0x156: {  	[dreg:$0x3] =	wrdreg s24;
	s24 =	sor.u32 $0x440, s19;
	v11 =	vld [tilespmem:s16+$0x0];
	v5 =	vadd.f32 v5, v7  }
0x157: {  	v6 =	vadd.f32 v6, v13;
	v1 =	vadd.f32 v1, v8;
	v7 =	vld [tilespmem:s24+$0x8000];
	s24 =	sor.u32 $0x450, s19  }
0x158: {  	s19 =	sor.u32 $0x460, s19;
	v8 =	vld [tilespmem:s24+$0x8000];
	v5 =	vadd.f32 v10, v5  }
0x159: {  	v1 =	vadd.f32 v12, v1;
	v2 =	vadd.f32 v2, v6;
	v6 =	vld [tilespmem:s19+$0x8000]  }
0x15a: {  	s18 =	sadd.s32 $0xFFFFFF80, s26;
	v10 =	vld [tilespmem:s16+$0x10]  }
0x15b: {  	s21 =	sand.u32 $0x300, s18;
	v4 =	vadd.f32 v4, v5;
	v1 =	vadd.f32 v9, v1;
	v5 =	vld [tilespmem:s16+$0x30]  }
0x15c: {  	s18 =	sor.u32 s21, s15;
	v2 =	vadd.f32 v3, v2;
	v3 =	vld [tilespmem:s16+$0x40]  }
0x15d: {  	v9 =	vld [tilespmem:s18+$0x10];
	v4 =	vadd.f32 v7, v4;
	v1 =	vadd.f32 v8, v1  }
0x15e: {  	v7 =	vld [tilespmem:s2+$0x0]  }
0x15f: {  	v2 =	vadd.f32 v6, v2;
	v1 =	vadd.f32 v1, v4;
	v4 =	vld [tilespmem:s2+$0x30]  }
0x160: {  	v8 =	vld [tilespmem:s2+$0x10]  }
0x161: {  	v6 =	vld [tilespmem:s2+$0x40];
	v1 =	vadd.f32 v2, v1  }
0x162: {  	s28 =	sadd.s32 $0x200, s28;
	v2 =	vadd.f32 v3, v10;
	v3 =	vld [tilespmem:s18+$0x0]  }
0x163: {  	[tilespmem:s28+$0x80] =	vst v1;
	v1 =	vld [tilespmem:s18+$0x30]  }
0x164: {  	v4 =	vadd.f32 v4, v7;
	v7 =	vld [tilespmem:s18+$0x40]  }
0x165: {  	v5 =	vadd.f32 v5, v11;
	v11 =	vld [tilespmem:s16+$0x60]  }
0x166: {  	v10 =	vld [tilespmem:s16+$0x20]  }
0x167: {  	v6 =	vadd.f32 v6, v8;
	v8 =	vld [tilespmem:s16+$0x50]  }
0x168: {  	v1 =	vadd.f32 v1, v3;
	v3 =	vld [tilespmem:s2+$0x20]  }
0x169: {  	v7 =	vadd.f32 v7, v9;
	v9 =	vld [tilespmem:s2+$0x50]  }
0x16a: {  	v13 =	vld [tilespmem:s18+$0x50]  }
0x16b: {  	v11 =	vadd.f32 v11, v5;
	v5 =	vld [tilespmem:s2+$0x70]  }
0x16c: {  	v12 =	vld [tilespmem:s16+$0x70]  }
0x16d: {  	s0 =	sadd.s32 s4, s25;
	v10 =	vadd.f32 v8, v10;
	v8 =	vld [tilespmem:s2+$0x60]  }
0x16e: {  	s15 =	sor.u32 $0x400, s0;
	s23 =	sor.u32 $0x400, s1;
	v3 =	vadd.f32 v9, v3;
	v9 =	vld [tilespmem:s18+$0x60]  }
0x16f: {  	[dreg:$0x4] =	wrdreg s23;
	s23 =	sor.u32 $0x400, s7;
	v18 =	vld [tilespmem:s15+$0x8000]  }
0x170: {  	v5 =	vadd.f32 v5, v6;
	v6 =	vld [tilespmem:s23+$0x8000]  }
0x171: {  	v2 =	vadd.f32 v12, v2;
	v12 =	vld [tilespmem:s18+$0x20]  }
0x172: {  	s5 =	sor.u32 $0x420, s1;
	s22 =	rddreg [dreg:$0x4];
	v4 =	vadd.f32 v8, v4;
	v8 =	vld [tilespmem:s18+$0x70]  }
0x173: {  	s17 =	sor.u32 $0x410, s0;
	[dreg:$0x5] =	wrdreg s5;
	v1 =	vadd.f32 v9, v1;
	v9 =	vld [tilespmem:s22+$0x8000]  }
0x174: {  	s24 =	rddreg [dreg:$0x5];
	v14 =	vadd.f32 v14, v4;
	v4 =	vld [tilespmem:s17+$0x8000]  }
0x175: {  	s23 =	rddreg [dreg:$0x3];
	v17 =	vadd.f32 v6, v3;
	v3 =	vld [tilespmem:s24+$0x8000]  }
0x176: {  	s5 =	sor.u32 $0x420, s0;
	v12 =	vadd.f32 v13, v12;
	v16 =	vld [tilespmem:s23+$0x8000]  }
0x177: {  	s29 =	sadd.s32 $0x4, s29;
	s21 =	sor.u32 $0x430, s7;
	v13 =	vadd.f32 v8, v7;
	v8 =	vadd.f32 v15, v5;
	v15 =	vld [tilespmem:s5+$0x8000]  }
0x178: {  	p2 =	slt.u32 s29, $0x7C;
	s9 =	sor.u32 $0x440, s1;
	v7 =	vadd.f32 v9, v12;
	v9 =	vld [tilespmem:s21+$0x8000]  }
.Ltmp2:
0x179: {  	s13 =	sor.u32 $0x450, s7;
	v4 =	vadd.f32 v4, v11;
	v11 =	vld [tilespmem:s9+$0x8000];
	(pc) =	sbr.rel @p2 .LBB2_7-.Ltmp2, $4  }
0x17a: {  	s30 =	sadd.s32 $0x2, s30;
	s12 =	sor.u32 $0x450, s1;
	v6 =	vadd.f32 v3, v13;
	v3 =	vadd.f32 v18, v10;
	v10 =	vld [tilespmem:s13+$0x8000]  }
0x17b: {  	p0 =	por !p0, !p0;
	s4 =	sor.u32 $0x430, s0;
	s8 =	sor.u32 $0x430, s1;
	v13 =	vld [tilespmem:s12+$0x8000]  }
0x17c: {  	s7 =	sor.u32 $0x460, s7;
	s11 =	sor.u32 $0x450, s0;
	s6 =	sor.u32 $0x440, s0;
	v14 =	vadd.f32 v63, v14;
	v5 =	vadd.f32 v16, v1;
	v12 =	vld [tilespmem:s8+$0x8000]  }
0x17d: {  	s0 =	sor.u32 $0x460, s0;
	s1 =	sor.u32 $0x460, s1;
	s19 =	simm.s32 $0x10;
	v2 =	vadd.f32 v15, v2;
	v1 =	vadd.f32 v9, v17;
	v9 =	vld [tilespmem:s4+$0x8000]  }
0x17e: {  	v15 =	vld [tilespmem:s6+$0x8000]  }
0x17f: {  	v16 =	vld [tilespmem:s11+$0x8000];
	_ =	sdelay $0x2  }
0x180: {  	v8 =	vadd.f32 v10, v8;
	v10 =	vld [tilespmem:s7+$0x8000]  }
0x181: {  	v5 =	vadd.f32 v11, v5;
	v11 =	vld [tilespmem:s0+$0x8000];
	v7 =	vadd.f32 v12, v7  }
0x182: {  	v12 =	vld [tilespmem:s1+$0x8000];
	v4 =	vadd.f32 v15, v4;
	v2 =	vadd.f32 v16, v2  }
0x183: {  	v6 =	vadd.f32 v13, v6  }
0x184: {  	v3 =	vadd.f32 v9, v3;
	v2 =	vadd.f32 v2, v4;
	v4 =	vmov s19  }
0x185: {  	v8 =	vadd.f32 v8, v14;
	v1 =	vadd.f32 v10, v1;
	v4 =	vshll.u32 v4, $0x7  }
0x186: {  	v5 =	vadd.f32 v6, v5;
	v3 =	vadd.f32 v11, v3;
	v4 =	vor.u32 v0, v4  }
0x187: {  	v6 =	vadd.f32 v12, v7;
	v1 =	vadd.f32 v1, v8;
	v8 =	vor.u32 $0x1, v4  }
0x188: {  	v2 =	vadd.f32 v3, v2;
	v17 =	vor.u32 $0x2, v4  }
0x189: {  	v5 =	vadd.f32 v6, v5;
	[tilespmem:s28+$0xFFFFFF80] =	vst v1;
	v18 =	vor.u32 $0x3, v4  }
0x18a: {  	v19 =	vor.u32 $0x4, v4;
	[tilespmem:s28+$0xFFFFFF00] =	vst v2  }
0x18b: {  	v20 =	vor.u32 $0x5, v4;
	[tilespmem:s28+$0x0] =	vst v5  }
0x18c: {  	v21 =	vor.u32 $0x6, v4;
	v8 =	vld.idx.msk [tilespmem:v8+s14+$0x0], $0xffff  }
0x18d: {  	v22 =	vor.u32 $0x7, v4;
	v17 =	vld.idx.msk [tilespmem:v17+s14+$0x0], $0xffff  }
0x18e: {  	v23 =	vor.u32 $0x8, v4;
	v18 =	vld.idx.msk [tilespmem:v18+s14+$0x0], $0xffff  }
0x18f: {  	v24 =	vor.u32 $0x9, v4;
	v19 =	vld.idx.msk [tilespmem:v19+s14+$0x0], $0xffff  }
0x190: {  	s29 =	simm.s32 $0x0;
	v25 =	vor.u32 $0xA, v4;
	v20 =	vld.idx.msk [tilespmem:v20+s14+$0x0], $0xffff  }
0x191: {  	v7 =	vmov s29;
	v26 =	vor.u32 $0xB, v4;
	v21 =	vld.idx.msk [tilespmem:v21+s14+$0x0], $0xffff  }
0x192: {  	v7 =	vshll.u32 v7, $0x7;
	v28 =	vor.u32 $0xD, v4;
	v22 =	vld.idx.msk [tilespmem:v22+s14+$0x0], $0xffff  }
0x193: {  	v7 =	vor.u32 v0, v7;
	v27 =	vor.u32 $0xC, v4;
	v4 =	vor.u32 $0xE, v4;
	v23 =	vld.idx.msk [tilespmem:v23+s14+$0x0], $0xffff  }
0x194: {  	v6 =	vor.u32 $0x1, v7;
	v24 =	vld.idx.msk [tilespmem:v24+s14+$0x0], $0xffff  }
0x195: {  	v1 =	vor.u32 $0x2, v7;
	v25 =	vld.idx.msk [tilespmem:v25+s14+$0x0], $0xffff  }
0x196: {  	v3 =	vor.u32 $0x3, v7;
	v26 =	vld.idx.msk [tilespmem:v26+s14+$0x0], $0xffff  }
0x197: {  	v2 =	vor.u32 $0x4, v7;
	v28 =	vld.idx.msk [tilespmem:v28+s14+$0x0], $0xffff  }
0x198: {  	v9 =	vor.u32 $0x6, v7;
	v4 =	vld.idx.msk [tilespmem:v4+s14+$0x0], $0xffff  }
0x199: {  	v10 =	vor.u32 $0x7, v7;
	v6 =	vld.idx.msk [tilespmem:v6+s14+$0x0], $0xffff  }
0x19a: {  	v11 =	vor.u32 $0x8, v7;
	v1 =	vld.idx.msk [tilespmem:v1+s14+$0x0], $0xffff  }
0x19b: {  	v5 =	vor.u32 $0x5, v7;
	v3 =	vld.idx.msk [tilespmem:v3+s14+$0x0], $0xffff  }
0x19c: {  	v12 =	vor.u32 $0x9, v7;
	v2 =	vld.idx.msk [tilespmem:v2+s14+$0x0], $0xffff  }
0x19d: {  	v13 =	vor.u32 $0xA, v7;
	v9 =	vld.idx.msk [tilespmem:v9+s14+$0x0], $0xffff  }
0x19e: {  	s30 =	simm.s32 $0x30;
	v14 =	vor.u32 $0xB, v7;
	v10 =	vld.idx.msk [tilespmem:v10+s14+$0x0], $0xffff  }
0x19f: {  	s31 =	simm.s32 $0x20;
	v29 =	vmov s30;
	v15 =	vor.u32 $0xC, v7;
	v11 =	vld.idx.msk [tilespmem:v11+s14+$0x0], $0xffff  }
0x1a0: {  	v30 =	vmov s31;
	v16 =	vor.u32 $0xD, v7;
	v5 =	vld.idx.msk [tilespmem:v5+s14+$0x0], $0xffff;
	v6 =	vadd.f32 $0.0e+00, v6  }
0x1a1: {  	v29 =	vshll.u32 v29, $0x7;
	v7 =	vor.u32 $0xE, v7;
	v12 =	vld.idx.msk [tilespmem:v12+s14+$0x0], $0xffff;
	v1 =	vadd.f32 $0.0e+00, v1  }
0x1a2: {  	v29 =	vor.u32 v0, v29;
	v13 =	vld.idx.msk [tilespmem:v13+s14+$0x0], $0xffff;
	v3 =	vadd.f32 v3, v6;
	v6 =	vshll.u32 v30, $0x7  }
0x1a3: {  	v14 =	vld.idx.msk [tilespmem:v14+s14+$0x0], $0xffff;
	v1 =	vadd.f32 v2, v1;
	v2 =	vor.u32 v0, v6;
	v6 =	vor.u32 $0x1, v29  }
0x1a4: {  	v15 =	vld.idx.msk [tilespmem:v15+s14+$0x0], $0xffff;
	v8 =	vadd.f32 $0.0e+00, v8;
	v57 =	vor.u32 $0x1, v2  }
0x1a5: {  	v16 =	vld.idx.msk [tilespmem:v16+s14+$0x0], $0xffff;
	v3 =	vadd.f32 v5, v3;
	v1 =	vadd.f32 v9, v1;
	v5 =	vor.u32 $0x2, v2  }
0x1a6: {  	v7 =	vld.idx.msk [tilespmem:v7+s14+$0x0], $0xffff;
	v8 =	vadd.f32 v18, v8;
	v18 =	vor.u32 $0x9, v2  }
0x1a7: {  	v9 =	vld.idx.msk [tilespmem:v27+s14+$0x0], $0xffff;
	v58 =	vor.u32 $0x3, v2;
	v3 =	vadd.f32 v10, v3;
	v1 =	vadd.f32 v11, v1  }
0x1a8: {  	v10 =	vor.u32 $0x4, v2;
	v11 =	vadd.f32 $0.0e+00, v17;
	v31 =	vld.idx.msk [tilespmem:v6+s14+$0x0], $0xffff  }
0x1a9: {  	v17 =	vor.u32 $0x5, v2;
	v3 =	vadd.f32 v12, v3;
	v1 =	vadd.f32 v13, v1;
	v6 =	vld.idx.msk [tilespmem:v57+s14+$0x0], $0xffff  }
0x1aa: {  	v8 =	vadd.f32 v20, v8;
	v12 =	vor.u32 $0x6, v2;
	v11 =	vadd.f32 v19, v11;
	v5 =	vld.idx.msk [tilespmem:v5+s14+$0x0], $0xffff  }
0x1ab: {  	v13 =	vor.u32 $0x7, v2;
	v18 =	vld.idx.msk [tilespmem:v18+s14+$0x0], $0xffff;
	v3 =	vadd.f32 v14, v3;
	v1 =	vadd.f32 v15, v1  }
0x1ac: {  	v8 =	vadd.f32 v22, v8;
	v14 =	vld.idx.msk [tilespmem:v58+s14+$0x0], $0xffff;
	v15 =	vor.u32 $0x8, v2;
	v11 =	vadd.f32 v21, v11  }
0x1ad: {  	v19 =	vor.u32 $0xC, v2;
	v10 =	vld.idx.msk [tilespmem:v10+s14+$0x0], $0xffff;
	v3 =	vadd.f32 v16, v3;
	v1 =	vadd.f32 v7, v1  }
0x1ae: {  	v8 =	vadd.f32 v24, v8;
	v7 =	vld.idx.msk [tilespmem:v17+s14+$0x0], $0xffff;
	v16 =	vor.u32 $0xA, v2  }
0x1af: {  	v11 =	vadd.f32 v23, v11;
	v17 =	vor.u32 $0xB, v2;
	v12 =	vld.idx.msk [tilespmem:v12+s14+$0x0], $0xffff;
	v1 =	vadd.f32 v1, v3  }
0x1b0: {  	v13 =	vld.idx.msk [tilespmem:v13+s14+$0x0], $0xffff;
	v3 =	vor.u32 $0x2, v29;
	v6 =	vadd.f32 $0.0e+00, v6;
	v5 =	vadd.f32 $0.0e+00, v5  }
0x1b1: {  	v11 =	vadd.f32 v25, v11;
	v20 =	vld.idx.msk [tilespmem:v15+s14+$0x0], $0xffff;
	v15 =	vor.u32 $0xD, v2;
	v2 =	vor.u32 $0xE, v2  }
0x1b2: {  	v19 =	vld.idx.msk [tilespmem:v19+s14+$0x0], $0xffff;
	v61 =	vmul.f32 $4.761904940e-03, v1;
	v1 =	vadd.f32 v14, v6;
	v5 =	vadd.f32 v10, v5  }
0x1b3: {  	v59 =	vor.u32 $0x3, v29;
	v8 =	vadd.f32 v26, v8;
	v9 =	vadd.f32 v9, v11;
	v60 =	vld.idx.msk [tilespmem:v16+s14+$0x0], $0xffff  }
0x1b4: {  	v6 =	vor.u32 $0x4, v29;
	v14 =	vld.idx.msk [tilespmem:v17+s14+$0x0], $0xffff;
	v7 =	vadd.f32 v7, v1;
	v5 =	vadd.f32 v12, v5  }
0x1b5: {  	v8 =	vadd.f32 v28, v8;
	v17 =	vor.u32 $0x5, v29;
	v4 =	vadd.f32 v4, v9;
	v16 =	vld.idx.msk [tilespmem:v3+s14+$0x0], $0xffff  }
0x1b6: {  	v62 =	vor.u32 $0x6, v29;
	v12 =	vld.idx.msk [tilespmem:v15+s14+$0x0], $0xffff;
	v7 =	vadd.f32 v13, v7;
	v9 =	vadd.f32 v20, v5  }
0x1b7: {  	v1 =	vor.u32 $0x7, v29;
	v3 =	vor.u32 $0xA, v29;
	v8 =	vadd.f32 v4, v8;
	v15 =	vld.idx.msk [tilespmem:v2+s14+$0x0], $0xffff  }
0x1b8: {  	v11 =	vld.idx.msk [tilespmem:v59+s14+$0x0], $0xffff;
	v2 =	vor.u32 $0x8, v29;
	v18 =	vadd.f32 v18, v7;
	v63 =	vadd.f32 v60, v9  }
0x1b9: {  	v5 =	vor.u32 $0x9, v29;
	v4 =	vor.u32 $0xB, v29;
	v10 =	vld.idx.msk [tilespmem:v6+s14+$0x0], $0xffff;
	v20 =	vmul.f32 $4.761904940e-03, v8  }
0x1ba: {  	[tilespmem:s20+$0xFFFFFFF0] =	vst v61;
	v6 =	vor.u32 $0xD, v29;
	v13 =	vld.idx.msk [tilespmem:v17+s14+$0x0], $0xffff;
	v17 =	vadd.f32 v14, v18;
	v18 =	vadd.f32 v19, v63  }
0x1bb: {  	s0 =	simm.s32 $0x2;
	s1 =	simm.s32 $0x50;
	v8 =	vor.u32 $0xC, v29;
	v9 =	vadd.f32 $0.0e+00, v31;
	v7 =	vor.u32 $0xE, v29;
	[tilespmem:s20+$0x0] =	vst v20;
	v14 =	vld.idx.msk [tilespmem:v62+s14+$0x0], $0xffff  }
.LBB2_9:
0x1bc: {  	s2 =	sadd.s32 $0xFFFFFFF0, s1;
	v19 =	vmov s1;
	v12 =	vadd.f32 v12, v17;
	v15 =	vadd.f32 v15, v18;
	v17 =	vld.idx.msk [tilespmem:v1+s14+$0x0], $0xffff  }
0x1bd: {  	s0 =	sadd.s32 $0x2, s0;
	v16 =	vadd.f32 $0.0e+00, v16;
	v1 =	vmov s2;
	v18 =	vshll.u32 v19, $0x7;
	v19 =	vld.idx.msk [tilespmem:v2+s14+$0x0], $0xffff  }
0x1be: {  	p0 =	slt.u32 s0, $0x6;
	v1 =	vshll.u32 v1, $0x7;
	v18 =	vor.u32 v0, v18;
	v2 =	vadd.f32 v15, v12;
	v12 =	vld.idx.msk [tilespmem:v5+s14+$0x0], $0xffff  }
0x1bf: {  	v15 =	vor.u32 v0, v1;
	v5 =	vor.u32 $0x1, v18;
	v20 =	vor.u32 $0x2, v18;
	v21 =	vld.idx.msk [tilespmem:v3+s14+$0x0], $0xffff  }
0x1c0: {  	v22 =	vor.u32 $0x3, v18;
	v3 =	vor.u32 $0x1, v15;
	v2 =	vmul.f32 $4.761904940e-03, v2;
	v23 =	vld.idx.msk [tilespmem:v4+s14+$0x0], $0xffff  }
0x1c1: {  	s20 =	sadd.s32 $0x20, s20;
	v24 =	vor.u32 $0x4, v18;
	v25 =	vor.u32 $0x5, v18;
	v4 =	vor.u32 $0x2, v15;
	v26 =	vld.idx.msk [tilespmem:v8+s14+$0x0], $0xffff  }
0x1c2: {  	v27 =	vor.u32 $0x6, v18;
	v1 =	vor.u32 $0x7, v18;
	v8 =	vor.u32 $0x3, v15;
	[tilespmem:s20+$0xFFFFFFF0] =	vst v2;
	v28 =	vld.idx.msk [tilespmem:v6+s14+$0x0], $0xffff  }
0x1c3: {  	v9 =	vadd.f32 v11, v9;
	v6 =	vor.u32 $0x4, v15;
	v2 =	vor.u32 $0x8, v18;
	v11 =	vld.idx.msk [tilespmem:v7+s14+$0x0], $0xffff  }
0x1c4: {  	v10 =	vadd.f32 v10, v16;
	v7 =	vor.u32 $0x5, v15;
	v29 =	vld.idx.msk [tilespmem:v5+s14+$0x0], $0xffff;
	v5 =	vor.u32 $0x9, v18  }
0x1c5: {  	v9 =	vadd.f32 v13, v9;
	v30 =	vor.u32 $0x6, v15;
	v16 =	vld.idx.msk [tilespmem:v3+s14+$0x0], $0xffff;
	v3 =	vor.u32 $0xA, v18  }
0x1c6: {  	v31 =	vor.u32 $0x7, v15;
	v10 =	vadd.f32 v14, v10;
	v13 =	vld.idx.msk [tilespmem:v4+s14+$0x0], $0xffff;
	v4 =	vor.u32 $0xB, v18  }
0x1c7: {  	v32 =	vor.u32 $0x8, v15;
	v9 =	vadd.f32 v17, v9;
	v14 =	vld.idx.msk [tilespmem:v8+s14+$0x0], $0xffff;
	v8 =	vor.u32 $0xC, v18  }
0x1c8: {  	v33 =	vor.u32 $0x9, v15;
	v10 =	vadd.f32 v19, v10;
	v17 =	vld.idx.msk [tilespmem:v6+s14+$0x0], $0xffff;
	v6 =	vor.u32 $0xD, v18  }
0x1c9: {  	v34 =	vor.u32 $0xA, v15;
	v12 =	vadd.f32 v12, v9;
	v19 =	vld.idx.msk [tilespmem:v7+s14+$0x0], $0xffff;
	v7 =	vor.u32 $0xE, v18  }
0x1ca: {  	v10 =	vadd.f32 v21, v10;
	v9 =	vadd.f32 $0.0e+00, v29;
	v18 =	vld.idx.msk [tilespmem:v30+s14+$0x0], $0xffff;
	v30 =	vor.u32 $0xB, v15  }
0x1cb: {  	v12 =	vadd.f32 v23, v12;
	v29 =	vor.u32 $0xC, v15;
	v21 =	vld.idx.msk [tilespmem:v31+s14+$0x0], $0xffff  }
0x1cc: {  	v16 =	vadd.f32 $0.0e+00, v16;
	v13 =	vadd.f32 $0.0e+00, v13;
	v31 =	vor.u32 $0xD, v15;
	v23 =	vld.idx.msk [tilespmem:v32+s14+$0x0], $0xffff  }
0x1cd: {  	v10 =	vadd.f32 v26, v10;
	v26 =	vadd.f32 v28, v12;
	v15 =	vor.u32 $0xE, v15;
	v32 =	vld.idx.msk [tilespmem:v33+s14+$0x0], $0xffff  }
0x1ce: {  	v12 =	vadd.f32 v14, v16;
	v13 =	vadd.f32 v17, v13;
	v14 =	vld.idx.msk [tilespmem:v34+s14+$0x0], $0xffff  }
0x1cf: {  	v10 =	vadd.f32 v11, v10;
	v17 =	vld.idx.msk [tilespmem:v30+s14+$0x0], $0xffff  }
0x1d0: {  	v11 =	vadd.f32 v19, v12;
	v13 =	vadd.f32 v18, v13;
	v18 =	vld.idx.msk [tilespmem:v29+s14+$0x0], $0xffff  }
0x1d1: {  	v10 =	vadd.f32 v10, v26;
	v12 =	vld.idx.msk [tilespmem:v31+s14+$0x0], $0xffff  }
0x1d2: {  	v11 =	vadd.f32 v21, v11;
	v13 =	vadd.f32 v23, v13;
	v15 =	vld.idx.msk [tilespmem:v15+s14+$0x0], $0xffff  }
.Ltmp3:
0x1d3: {  	v19 =	vmul.f32 $4.761904940e-03, v10;
	v16 =	vld.idx.msk [tilespmem:v20+s14+$0x0], $0xffff;
	(pc) =	sbr.rel @p0 .LBB2_9-.Ltmp3, $4  }
0x1d4: {  	v20 =	vadd.f32 v32, v11;
	v13 =	vadd.f32 v14, v13;
	v11 =	vld.idx.msk [tilespmem:v22+s14+$0x0], $0xffff  }
0x1d5: {  	v10 =	vld.idx.msk [tilespmem:v24+s14+$0x0], $0xffff;
	[tilespmem:s20+$0x0] =	vst v19  }
0x1d6: {  	v17 =	vadd.f32 v17, v20;
	v18 =	vadd.f32 v18, v13;
	v13 =	vld.idx.msk [tilespmem:v25+s14+$0x0], $0xffff  }
0x1d7: {  	s1 =	sadd.s32 $0x20, s1;
	v14 =	vld.idx.msk [tilespmem:v27+s14+$0x0], $0xffff  }
0x1d8: {  	_ =	sdelay $0x3  }
0x1d9: {  	v1 =	vld.idx.msk [tilespmem:v1+s14+$0x0], $0xffff;
	v16 =	vadd.f32 $0.0e+00, v16  }
0x1da: {  	v2 =	vld.idx.msk [tilespmem:v2+s14+$0x0], $0xffff  }
0x1db: {  	v5 =	vld.idx.msk [tilespmem:v5+s14+$0x0], $0xffff;
	v9 =	vadd.f32 v11, v9;
	v10 =	vadd.f32 v10, v16  }
0x1dc: {  	v3 =	vld.idx.msk [tilespmem:v3+s14+$0x0], $0xffff  }
0x1dd: {  	v4 =	vld.idx.msk [tilespmem:v4+s14+$0x0], $0xffff;
	v9 =	vadd.f32 v13, v9;
	v10 =	vadd.f32 v14, v10  }
0x1de: {  	v8 =	vld.idx.msk [tilespmem:v8+s14+$0x0], $0xffff  }
0x1df: {  	v6 =	vld.idx.msk [tilespmem:v6+s14+$0x0], $0xffff;
	v1 =	vadd.f32 v1, v9;
	v2 =	vadd.f32 v2, v10  }
0x1e0: {  	v7 =	vld.idx.msk [tilespmem:v7+s14+$0x0], $0xffff  }
0x1e1: {  	v1 =	vadd.f32 v5, v1;
	v2 =	vadd.f32 v3, v2;
	_ =	sdelay $0x1  }
0x1e2: {  	v1 =	vadd.f32 v4, v1;
	v2 =	vadd.f32 v8, v2  }
0x1e3: {  	v63 =	vadd.f32 v15, v18;
	v3 =	vadd.f32 v12, v17  }
0x1e4: {  	v1 =	vadd.f32 v6, v1;
	v2 =	vadd.f32 v7, v2  }
0x1e5: {  	v3 =	vadd.f32 v63, v3  }
0x1e6: {  	v1 =	vadd.f32 v2, v1  }
0x1e7: {  	v2 =	vmul.f32 $4.761904940e-03, v3  }
0x1e8: {  	s0 =	sadd.s32 $0x20, s20;
	s1 =	rddreg [dreg:$0x10];
	v1 =	vmul.f32 $4.761904940e-03, v1  }
0x1e9: {  	s2 =	rddreg [dreg:$0x14];
	[tilespmem:s0+$0xFFFFFFF0] =	vst v2  }
0x1ea: {  	[tilespmem:s0+$0x0] =	vst v1  }
0x1eb: {  	s1 =	sadd.s32 @!p1 s2, s1;
	s5 =	rddreg [dreg:$0x13]  }
0x1ec: {  	s2 =	simm.s32 @!p1 $0x8000;
	s0 =	rddreg [dreg:$0xa];
	s5 =	sadd.s32 $0x1, s5  }
0x1ed: {  	s1 =	sshrl.u32 @!p1 s1, $0x3;
	s28 =	rddreg [dreg:$0x16];
	p0 =	sne.s32 s5, $0xC  }
.Ltmp4:
0x1ee: {  	s0 =	sadd.s32 @!p1 s0, s1;
	s1 =	simm.s32 @!p1 $0x0;
	(pc) =	sbr.rel @p0 .LBB2_2-.Ltmp4, $4  }
0x1ef: {  	[tilespmem:s2], [sflag:$0x2] =	stream.linear.gather @!p1 [hbm4b:s0+s1], $0x8000, $0x38;
	[tilespmem:$0x14100] =	vst v63  }
0x1f0: {  	s29 =	rddreg [dreg:$0x1];
	s0 =	sshrl.u32 s28, $0x3  }
0x1f1: {  	s30 =	simm.s32 $0x0;
	s31 =	simm.s32 $0x14080;
	s0 =	sadd.s32 s29, s0  }
0x1f2: {  	[hbm4b:s0+s30] =	stream.linear.scatter [tilespmem:s31], [sflag:$0x4], $0x80, $0x38;
	[tilespmem:$0x14100] =	vst v63  }
0x1f3: {  	s0 =	simm.s32 $0x3  }
0x1f4: {  	_ =	swait.ge [sflag:s0], $0x80  }
0x1f5: {  	[sflag:s0] =	ssyncset.done $0x0  }
0x1f6: {  	s1 =	simm.s32 $0x4;
	[sflag:s0] =	ssyncadd.s32 $0xFFFFFF80  }
0x1f7: {  	_ =	swait.ge [sflag:s1], $0x80  }
0x1f8: {  	s2 =	rddreg [dreg:$0x12]  }
0x1f9: {  	s31 =	rddreg [dreg:$0x11];
	s2 =	sadd.s32 $0x1, s2  }
0x1fa: {  	p0 =	sne.s32 s2, s31  }
.Ltmp5:
0x1fb: {  	_ = 	snop;
	(pc) =	sbr.rel @p0 .LBB2_1-.Ltmp5, $3  }
0x1fc: {  	_ =	sdelay $0x1  }
0x1fd: {  	[sflag:s1] =	ssyncset.done $0x0  }
0x1fe: {  	[sflag:s1] =	ssyncadd.s32 $0xFFFFFF80  }
0x1ff: {  	_ =	sfence.sel $0x180000  }
0x200: {  	[bflag:$0x0] =	sbarrier.arrive $0xFFFF  }
0x201: {  	_ =	strace $0x90000047  }
0x202: {  	s0 =	stileid.u32;
	[bflag:$0x2] =	sbarrier.arrive $0xFFFF  }
0x203: {  	p0 =	sne.s32 s0, $0x0;
	s0 =	rddreg [dreg:$0x2]  }
0x204: {  	s0 =	sadd.s32 @!p0 $0x100000, s0  }
0x205: {  	[sflag:s0] =	ssyncadd.tile.s32 @!p0 $0x1;
	_ =	shalt  }
.Lfunc_end2:
_tile_overlayer_lowered:
.L_overlay_start_2:
0x206: {  	(tag) =	ssettag $0x2  }
0x207: {  	s0 =	rddreg [dreg:$0x0];
	s2 =	stileid.u32  }
0x208: {  	s1 =	rddreg [dreg:$0x1];
	p0 =	sne.s32 s2, $0x0  }
0x209: {  	s3 =	rddreg [dreg:$0x2];
	[bflag:$0x3] =	sbarrier.arrive $0xFFFF;
	s2 =	simm.s32 @!p0 $0x1C05  }
0x20a: {  	[timem:s3], [sflag:s2] =	dma.local @!p0 [hbm:s0], s1  }
0x20b: {  	s0 =	simm.s32 @!p0 $0x5  }
0x20c: {  	_ =	swait.ge @!p0 [sflag:s0], s1  }
0x20d: {  	s1 =	ssub.s32 @!p0 $0x0, s1;
	[sflag:s0] =	ssyncset.done @!p0 $0x0  }
0x20e: {  	[sflag:s0] =	ssyncadd.s32 @!p0 s1  }
0x20f: {  	[bflag:$0x3] =	sbarrier.arrive $0xFFFF  }
0x210: {  	_ =	shalt  }

</sc_bundles>
